<compile_context>
chip_gen: v7x
topology: tpu7x:2x2x1
jax: 0.10.2.dev20260603
libtpu: 0.0.44.dev20260713+nightly
codegen_flags: <defaults>
</compile_context>

<pallas_src>
import functools

import jax
import jax.numpy as jnp
from jax import lax
from jax.experimental import pallas as pl
from jax.experimental.pallas import tpu as pltpu
from jax.experimental.pallas import tpu_sc as plsc

_NUM_EMB = 100000
_D = 64
_NC = 2
_NS = 16
_NW = _NC * _NS
_NI = 16384
_NJ = 50
_IT = _NI // 128
_NBLK = _NJ * _IT
_BLK_PER_W = _NBLK // _NW
_NBUF = 4


@functools.partial(
    pl.kernel,
    out_type=jax.ShapeDtypeStruct((_NJ, _D // 8, _IT, 8, 128), jnp.float32),
    mesh=plsc.VectorSubcoreMesh(
        core_axis_name="c", subcore_axis_name="s",
        num_cores=_NC, num_subcores=_NS,
    ),
    scratch_types=[
        pltpu.VMEM((_BLK_PER_W, 128), jnp.int32),
        pltpu.VMEM((_NBUF, 128, _D), jnp.float32),
        pltpu.VMEM((_NBUF, _D // 8, 8, 129), jnp.float32),
        pltpu.SemaphoreType.DMA((_NBUF,)),
        pltpu.SemaphoreType.DMA((_NBUF,)),
    ],
    compiler_params=pltpu.CompilerParams(
        use_tc_tiling_on_sc=False, needs_layout_passes=False),
)
def _gather_kernel(x_hbm, w_hbm, out_hbm, idx_v, rows_v, tblk_v, gsem, ssem):
    wid = lax.axis_index("s") * _NC + lax.axis_index("c")

    pltpu.sync_copy(x_hbm.at[wid], idx_v)

    def block_jit(n):
        b = wid * _BLK_PER_W + n
        return b // _IT, lax.rem(b, _IT)

    def gather_start(n, bf):
        pltpu.async_copy(w_hbm.at[idx_v.at[n]], rows_v.at[bf], gsem.at[bf])

    def gather_wait(n, bf):
        pltpu.make_async_copy(w_hbm.at[idx_v.at[n]], rows_v.at[bf],
                              gsem.at[bf]).wait()

    def store_start(n, bf):
        j, it = block_jit(n)
        pltpu.async_copy(tblk_v.at[bf, :, :, pl.ds(0, 128)],
                         out_hbm.at[j, :, it], ssem.at[bf])

    def store_wait(n, bf):
        j, it = block_jit(n)
        pltpu.make_async_copy(tblk_v.at[bf, :, :, pl.ds(0, 128)],
                              out_hbm.at[j, :, it], ssem.at[bf]).wait()

    _i16 = lax.iota(jnp.int32, 16)
    dd_vecs = [((_i16 + 16 * k) // 8, lax.rem(_i16 + 16 * k, 8))
               for k in range(_D // 16)]

    def transpose(bf):
        rows = rows_v.at[bf]
        tb = tblk_v.at[bf]

        @plsc.parallel_loop(0, 128, unroll=4)
        def _t(il):
            ilv = jnp.full((16,), 0, jnp.int32) + il
            r = rows.at[il]
            for k, (dt_vec, ds_vec) in enumerate(dd_vecs):
                v = r[pl.ds(k * 16, 16)]
                plsc.store_scatter(tb, [dt_vec, ds_vec, ilv], v)

    @pl.loop(0, _NBUF)
    def _prime(n):
        gather_start(n, n)

    @pl.loop(0, _BLK_PER_W)
    def _ring(n):
        bf = lax.rem(n, _NBUF)
        gather_wait(n, bf)

        @pl.when(n >= _NBUF)
        def _():
            store_wait(n - _NBUF, bf)

        transpose(bf)
        store_start(n, bf)

        @pl.when(n < _BLK_PER_W - _NBUF)
        def _():
            gather_start(n + _NBUF, bf)

    @pl.loop(_BLK_PER_W - _NBUF, _BLK_PER_W)
    def _drain(n):
        store_wait(n, lax.rem(n, _NBUF))


def kernel(x, weight):
    xf = jnp.swapaxes(x, 0, 1).astype(jnp.int32).reshape(_NW, _BLK_PER_W, 128)
    out5 = _gather_kernel(xf, weight)
    return out5.transpose(2, 4, 0, 1, 3).reshape(_NI, _NJ, _D)

# --- scband reference (transcript-rebuilt; emitter-appended) ---
"""Pipeline reference for scband-fixed-storage-23287312679156 (READ-ONLY COPY).

The authoritative reference and input builder live on the scoring server;
editing this copy changes nothing except your own understanding.
"""

import jax, jax.numpy as jnp
import numpy as np

NUM_EMBEDDINGS = 100000
EMBEDDING_DIM = 64

def setup_inputs(seed: int = 0) -> dict:
    key = jax.random.key(seed)
    k1, k2 = jax.random.split(key)
    x = jax.random.randint(k1, (16384, 50), 0, NUM_EMBEDDINGS, dtype=jnp.int64) if jax.config.jax_enable_x64 else jax.random.randint(k1, (16384, 50), 0, NUM_EMBEDDINGS, dtype=jnp.int32)
    # embedding weight, init_fm = normal init (like nn.init.normal_)
    weight = jax.random.normal(k2, (NUM_EMBEDDINGS, EMBEDDING_DIM), dtype=jnp.float32)
    return {"x": x, "weight": weight}

def reference(x, weight):
    # FixedStorage.forward: embedding(to_index(x))
    # to_index: remainder(item.to(int64), num_embedding)
    idx = jnp.remainder(x.astype(jnp.int32), NUM_EMBEDDINGS)
    out = jnp.take(weight, idx, axis=0)
    return out

if __name__ == "__main__":
    import jax
    _d = setup_inputs()
    print(jax.jit(kernel)(*tuple(_d.values())))

</pallas_src>

<mosaic_0001>
#map = affine_map<(d0, d1) -> (0, 0, 0)>
#map1 = affine_map<(d0, d1) -> (0, 0)>
#map2 = affine_map<(d0, d1) -> (0, 0, 0, 0, 0)>
module attributes {stable_mosaic.version = 14 : i64} {
  func.func @_gather_kernel(%arg0: i32, %arg1: i32, %arg2: memref<32x200x128xi32, #tpu.memory_space<hbm>>, %arg3: memref<100000x64xf32, #tpu.memory_space<hbm>>, %arg4: memref<50x8x128x8x128xf32, #tpu.memory_space<hbm>>, %arg5: memref<200x128xi32, #tpu.memory_space<vmem>>, %arg6: memref<4x128x64xf32, #tpu.memory_space<vmem>>, %arg7: memref<4x8x8x129xf32, #tpu.memory_space<vmem>>, %arg8: memref<4x!tpu.dma_semaphore, #tpu.memory_space<semaphore_mem>>, %arg9: memref<4x!tpu.dma_semaphore, #tpu.memory_space<semaphore_mem>>) attributes {dimension_semantics = [#tpu.dimension_semantics<core_parallel>, #tpu.dimension_semantics<subcore_parallel>], iteration_bounds = array<i64: 2, 16>, scalar_prefetch = 0 : i64, scratch_operands = 5 : i64, tpu.core_type = #tpu.core_type<sc_vector_subcore>, window_params = [{transform_indices = #map}, {transform_indices = #map1}, {transform_indices = #map2}]} {
    %mul3A = arith.constant 2 : i32
    %mul3A_0 = arith.muli %arg1, %mul3A : i32
    %add3A = arith.addi %mul3A_0, %arg0 : i32
    "tpu.region"() ({
      %run_scoped3A = tpu.sem_alloc : memref<!tpu.dma_semaphore, #tpu.memory_space<semaphore_mem>>
      %dma_start3A = arith.constant 0 : i32
      %dma_start3A_167 = arith.constant 0 : i32
      %dma_start3A_168 = tpu.memref_slice %arg2[%add3A, %dma_start3A, %dma_start3A_167] : memref<32x200x128xi32, #tpu.memory_space<hbm>> -> memref<1x200x128xi32, #tpu.memory_space<hbm>>
      %dma_start3A_169 = tpu.memref_squeeze %dma_start3A_168 : memref<1x200x128xi32, #tpu.memory_space<hbm>> -> memref<200x128xi32, #tpu.memory_space<hbm>>
      %dma_start3A_170 = arith.constant 0 : i32
      %dma_start3A_171 = arith.constant 0 : i32
      %dma_start3A_172 = tpu.memref_slice %arg2[%add3A, %dma_start3A_170, %dma_start3A_171] : memref<32x200x128xi32, #tpu.memory_space<hbm>> -> memref<1x200x128xi32, #tpu.memory_space<hbm>>
      %dma_start3A_173 = tpu.memref_squeeze %dma_start3A_172 : memref<1x200x128xi32, #tpu.memory_space<hbm>> -> memref<200x128xi32, #tpu.memory_space<hbm>>
      tpu.enqueue_dma source(%dma_start3A_173 : memref<200x128xi32, #tpu.memory_space<hbm>>) target(%arg5 : memref<200x128xi32, #tpu.memory_space<vmem>>) target_semaphore(%run_scoped3A : memref<!tpu.dma_semaphore, #tpu.memory_space<semaphore_mem>>)
      %dma_wait3A = arith.constant 0 : i32
      %dma_wait3A_174 = arith.constant 0 : i32
      %dma_wait3A_175 = tpu.memref_slice %arg2[%add3A, %dma_wait3A, %dma_wait3A_174] : memref<32x200x128xi32, #tpu.memory_space<hbm>> -> memref<1x200x128xi32, #tpu.memory_space<hbm>>
      %dma_wait3A_176 = tpu.memref_squeeze %dma_wait3A_175 : memref<1x200x128xi32, #tpu.memory_space<hbm>> -> memref<200x128xi32, #tpu.memory_space<hbm>>
      %dma_wait3A_177 = arith.constant 0 : i32
      %dma_wait3A_178 = arith.constant 0 : i32
      %dma_wait3A_179 = tpu.memref_slice %arg2[%add3A, %dma_wait3A_177, %dma_wait3A_178] : memref<32x200x128xi32, #tpu.memory_space<hbm>> -> memref<1x200x128xi32, #tpu.memory_space<hbm>>
      %dma_wait3A_180 = tpu.memref_squeeze %dma_wait3A_179 : memref<1x200x128xi32, #tpu.memory_space<hbm>> -> memref<200x128xi32, #tpu.memory_space<hbm>>
      tpu.wait_dma2 semaphore(%run_scoped3A : memref<!tpu.dma_semaphore, #tpu.memory_space<semaphore_mem>>) src(%dma_wait3A_180 : memref<200x128xi32, #tpu.memory_space<hbm>>) dst(%arg5 : memref<200x128xi32, #tpu.memory_space<vmem>>)
      tpu.yield
    }) : () -> ()
    %iota3A = tpu.iota {dimensions = array<i32: 0>} : vector<16xi32>
    %add3A_1 = arith.constant 0 : i32
    %add3A_2 = vector.broadcast %add3A_1 : i32 to vector<16xi32>
    %add3A_3 = arith.addi %iota3A, %add3A_2 : vector<16xi32>
    %jit3A = arith.constant 8 : i32
    %div3A = vector.broadcast %jit3A : i32 to vector<16xi32>
    %div3A_4 = arith.divsi %add3A_3, %div3A : vector<16xi32>
    %sign3A = arith.constant 0 : i32
    %sign3A_5 = vector.broadcast %sign3A : i32 to vector<16xi32>
    %sign3A_6 = arith.cmpi sgt, %add3A_3, %sign3A_5 : vector<16xi32>
    %sign3A_7 = arith.extui %sign3A_6 : vector<16xi1> to vector<16xi32>
    %sign3A_8 = arith.constant 0 : i32
    %sign3A_9 = vector.broadcast %sign3A_8 : i32 to vector<16xi32>
    %sign3A_10 = arith.cmpi slt, %add3A_3, %sign3A_9 : vector<16xi32>
    %sign3A_11 = arith.extui %sign3A_10 : vector<16xi1> to vector<16xi32>
    %sign3A_12 = arith.subi %sign3A_7, %sign3A_11 : vector<16xi32>
    %sign3A_13 = arith.constant 0 : i32
    %sign3A_14 = arith.cmpi sgt, %jit3A, %sign3A_13 : i32
    %sign3A_15 = arith.extui %sign3A_14 : i1 to i32
    %sign3A_16 = arith.constant 0 : i32
    %sign3A_17 = arith.cmpi slt, %jit3A, %sign3A_16 : i32
    %sign3A_18 = arith.extui %sign3A_17 : i1 to i32
    %sign3A_19 = arith.subi %sign3A_15, %sign3A_18 : i32
    %ne3A = vector.broadcast %sign3A_19 : i32 to vector<16xi32>
    %ne3A_20 = arith.cmpi ne, %sign3A_12, %ne3A : vector<16xi32>
    %rem3A = vector.broadcast %jit3A : i32 to vector<16xi32>
    %rem3A_21 = arith.remsi %add3A_3, %rem3A : vector<16xi32>
    %ne3A_22 = arith.constant 0 : i32
    %ne3A_23 = vector.broadcast %ne3A_22 : i32 to vector<16xi32>
    %ne3A_24 = arith.cmpi ne, %rem3A_21, %ne3A_23 : vector<16xi32>
    %and3A = arith.andi %ne3A_20, %ne3A_24 : vector<16xi1>
    %sub3A = arith.constant 1 : i32
    %sub3A_25 = vector.broadcast %sub3A : i32 to vector<16xi32>
    %sub3A_26 = arith.subi %div3A_4, %sub3A_25 : vector<16xi32>
    %select_n3A = arith.select %and3A, %sub3A_26, %div3A_4 : vector<16xi1>, vector<16xi32>
    %add3A_27 = arith.constant 0 : i32
    %add3A_28 = vector.broadcast %add3A_27 : i32 to vector<16xi32>
    %add3A_29 = arith.addi %iota3A, %add3A_28 : vector<16xi32>
    %rem3A_30 = arith.constant 8 : i32
    %rem3A_31 = vector.broadcast %rem3A_30 : i32 to vector<16xi32>
    %rem3A_32 = arith.remsi %add3A_29, %rem3A_31 : vector<16xi32>
    %add3A_33 = arith.constant 16 : i32
    %add3A_34 = vector.broadcast %add3A_33 : i32 to vector<16xi32>
    %add3A_35 = arith.addi %iota3A, %add3A_34 : vector<16xi32>
    %jit3A_36 = arith.constant 8 : i32
    %div3A_37 = vector.broadcast %jit3A_36 : i32 to vector<16xi32>
    %div3A_38 = arith.divsi %add3A_35, %div3A_37 : vector<16xi32>
    %sign3A_39 = arith.constant 0 : i32
    %sign3A_40 = vector.broadcast %sign3A_39 : i32 to vector<16xi32>
    %sign3A_41 = arith.cmpi sgt, %add3A_35, %sign3A_40 : vector<16xi32>
    %sign3A_42 = arith.extui %sign3A_41 : vector<16xi1> to vector<16xi32>
    %sign3A_43 = arith.constant 0 : i32
    %sign3A_44 = vector.broadcast %sign3A_43 : i32 to vector<16xi32>
    %sign3A_45 = arith.cmpi slt, %add3A_35, %sign3A_44 : vector<16xi32>
    %sign3A_46 = arith.extui %sign3A_45 : vector<16xi1> to vector<16xi32>
    %sign3A_47 = arith.subi %sign3A_42, %sign3A_46 : vector<16xi32>
    %sign3A_48 = arith.constant 0 : i32
    %sign3A_49 = arith.cmpi sgt, %jit3A_36, %sign3A_48 : i32
    %sign3A_50 = arith.extui %sign3A_49 : i1 to i32
    %sign3A_51 = arith.constant 0 : i32
    %sign3A_52 = arith.cmpi slt, %jit3A_36, %sign3A_51 : i32
    %sign3A_53 = arith.extui %sign3A_52 : i1 to i32
    %sign3A_54 = arith.subi %sign3A_50, %sign3A_53 : i32
    %ne3A_55 = vector.broadcast %sign3A_54 : i32 to vector<16xi32>
    %ne3A_56 = arith.cmpi ne, %sign3A_47, %ne3A_55 : vector<16xi32>
    %rem3A_57 = vector.broadcast %jit3A_36 : i32 to vector<16xi32>
    %rem3A_58 = arith.remsi %add3A_35, %rem3A_57 : vector<16xi32>
    %ne3A_59 = arith.constant 0 : i32
    %ne3A_60 = vector.broadcast %ne3A_59 : i32 to vector<16xi32>
    %ne3A_61 = arith.cmpi ne, %rem3A_58, %ne3A_60 : vector<16xi32>
    %and3A_62 = arith.andi %ne3A_56, %ne3A_61 : vector<16xi1>
    %sub3A_63 = arith.constant 1 : i32
    %sub3A_64 = vector.broadcast %sub3A_63 : i32 to vector<16xi32>
    %sub3A_65 = arith.subi %div3A_38, %sub3A_64 : vector<16xi32>
    %select_n3A_66 = arith.select %and3A_62, %sub3A_65, %div3A_38 : vector<16xi1>, vector<16xi32>
    %add3A_67 = arith.constant 16 : i32
    %add3A_68 = vector.broadcast %add3A_67 : i32 to vector<16xi32>
    %add3A_69 = arith.addi %iota3A, %add3A_68 : vector<16xi32>
    %rem3A_70 = arith.constant 8 : i32
    %rem3A_71 = vector.broadcast %rem3A_70 : i32 to vector<16xi32>
    %rem3A_72 = arith.remsi %add3A_69, %rem3A_71 : vector<16xi32>
    %add3A_73 = arith.constant 32 : i32
    %add3A_74 = vector.broadcast %add3A_73 : i32 to vector<16xi32>
    %add3A_75 = arith.addi %iota3A, %add3A_74 : vector<16xi32>
    %jit3A_76 = arith.constant 8 : i32
    %div3A_77 = vector.broadcast %jit3A_76 : i32 to vector<16xi32>
    %div3A_78 = arith.divsi %add3A_75, %div3A_77 : vector<16xi32>
    %sign3A_79 = arith.constant 0 : i32
    %sign3A_80 = vector.broadcast %sign3A_79 : i32 to vector<16xi32>
    %sign3A_81 = arith.cmpi sgt, %add3A_75, %sign3A_80 : vector<16xi32>
    %sign3A_82 = arith.extui %sign3A_81 : vector<16xi1> to vector<16xi32>
    %sign3A_83 = arith.constant 0 : i32
    %sign3A_84 = vector.broadcast %sign3A_83 : i32 to vector<16xi32>
    %sign3A_85 = arith.cmpi slt, %add3A_75, %sign3A_84 : vector<16xi32>
    %sign3A_86 = arith.extui %sign3A_85 : vector<16xi1> to vector<16xi32>
    %sign3A_87 = arith.subi %sign3A_82, %sign3A_86 : vector<16xi32>
    %sign3A_88 = arith.constant 0 : i32
    %sign3A_89 = arith.cmpi sgt, %jit3A_76, %sign3A_88 : i32
    %sign3A_90 = arith.extui %sign3A_89 : i1 to i32
    %sign3A_91 = arith.constant 0 : i32
    %sign3A_92 = arith.cmpi slt, %jit3A_76, %sign3A_91 : i32
    %sign3A_93 = arith.extui %sign3A_92 : i1 to i32
    %sign3A_94 = arith.subi %sign3A_90, %sign3A_93 : i32
    %ne3A_95 = vector.broadcast %sign3A_94 : i32 to vector<16xi32>
    %ne3A_96 = arith.cmpi ne, %sign3A_87, %ne3A_95 : vector<16xi32>
    %rem3A_97 = vector.broadcast %jit3A_76 : i32 to vector<16xi32>
    %rem3A_98 = arith.remsi %add3A_75, %rem3A_97 : vector<16xi32>
    %ne3A_99 = arith.constant 0 : i32
    %ne3A_100 = vector.broadcast %ne3A_99 : i32 to vector<16xi32>
    %ne3A_101 = arith.cmpi ne, %rem3A_98, %ne3A_100 : vector<16xi32>
    %and3A_102 = arith.andi %ne3A_96, %ne3A_101 : vector<16xi1>
    %sub3A_103 = arith.constant 1 : i32
    %sub3A_104 = vector.broadcast %sub3A_103 : i32 to vector<16xi32>
    %sub3A_105 = arith.subi %div3A_78, %sub3A_104 : vector<16xi32>
    %select_n3A_106 = arith.select %and3A_102, %sub3A_105, %div3A_78 : vector<16xi1>, vector<16xi32>
    %add3A_107 = arith.constant 32 : i32
    %add3A_108 = vector.broadcast %add3A_107 : i32 to vector<16xi32>
    %add3A_109 = arith.addi %iota3A, %add3A_108 : vector<16xi32>
    %rem3A_110 = arith.constant 8 : i32
    %rem3A_111 = vector.broadcast %rem3A_110 : i32 to vector<16xi32>
    %rem3A_112 = arith.remsi %add3A_109, %rem3A_111 : vector<16xi32>
    %add3A_113 = arith.constant 48 : i32
    %add3A_114 = vector.broadcast %add3A_113 : i32 to vector<16xi32>
    %add3A_115 = arith.addi %iota3A, %add3A_114 : vector<16xi32>
    %jit3A_116 = arith.constant 8 : i32
    %div3A_117 = vector.broadcast %jit3A_116 : i32 to vector<16xi32>
    %div3A_118 = arith.divsi %add3A_115, %div3A_117 : vector<16xi32>
    %sign3A_119 = arith.constant 0 : i32
    %sign3A_120 = vector.broadcast %sign3A_119 : i32 to vector<16xi32>
    %sign3A_121 = arith.cmpi sgt, %add3A_115, %sign3A_120 : vector<16xi32>
    %sign3A_122 = arith.extui %sign3A_121 : vector<16xi1> to vector<16xi32>
    %sign3A_123 = arith.constant 0 : i32
    %sign3A_124 = vector.broadcast %sign3A_123 : i32 to vector<16xi32>
    %sign3A_125 = arith.cmpi slt, %add3A_115, %sign3A_124 : vector<16xi32>
    %sign3A_126 = arith.extui %sign3A_125 : vector<16xi1> to vector<16xi32>
    %sign3A_127 = arith.subi %sign3A_122, %sign3A_126 : vector<16xi32>
    %sign3A_128 = arith.constant 0 : i32
    %sign3A_129 = arith.cmpi sgt, %jit3A_116, %sign3A_128 : i32
    %sign3A_130 = arith.extui %sign3A_129 : i1 to i32
    %sign3A_131 = arith.constant 0 : i32
    %sign3A_132 = arith.cmpi slt, %jit3A_116, %sign3A_131 : i32
    %sign3A_133 = arith.extui %sign3A_132 : i1 to i32
    %sign3A_134 = arith.subi %sign3A_130, %sign3A_133 : i32
    %ne3A_135 = vector.broadcast %sign3A_134 : i32 to vector<16xi32>
    %ne3A_136 = arith.cmpi ne, %sign3A_127, %ne3A_135 : vector<16xi32>
    %rem3A_137 = vector.broadcast %jit3A_116 : i32 to vector<16xi32>
    %rem3A_138 = arith.remsi %add3A_115, %rem3A_137 : vector<16xi32>
    %ne3A_139 = arith.constant 0 : i32
    %ne3A_140 = vector.broadcast %ne3A_139 : i32 to vector<16xi32>
    %ne3A_141 = arith.cmpi ne, %rem3A_138, %ne3A_140 : vector<16xi32>
    %and3A_142 = arith.andi %ne3A_136, %ne3A_141 : vector<16xi1>
    %sub3A_143 = arith.constant 1 : i32
    %sub3A_144 = vector.broadcast %sub3A_143 : i32 to vector<16xi32>
    %sub3A_145 = arith.subi %div3A_118, %sub3A_144 : vector<16xi32>
    %select_n3A_146 = arith.select %and3A_142, %sub3A_145, %div3A_118 : vector<16xi1>, vector<16xi32>
    %add3A_147 = arith.constant 48 : i32
    %add3A_148 = vector.broadcast %add3A_147 : i32 to vector<16xi32>
    %add3A_149 = arith.addi %iota3A, %add3A_148 : vector<16xi32>
    %rem3A_150 = arith.constant 8 : i32
    %rem3A_151 = vector.broadcast %rem3A_150 : i32 to vector<16xi32>
    %rem3A_152 = arith.remsi %add3A_149, %rem3A_151 : vector<16xi32>
    %scan3A = arith.constant 0 : i32
    %scan3A_153 = arith.constant 4 : i32
    %scan3A_154 = arith.addi %scan3A, %scan3A_153 : i32
    %scan3A_155 = arith.constant 1 : i32
    scf.for %scan3A_167 = %scan3A to %scan3A_154 step %scan3A_155  : i32 {
      %mul3A_168 = arith.constant 1 : i32
      %mul3A_169 = arith.muli %scan3A_167, %mul3A_168 : i32
      %add3A_170 = arith.constant 0 : i32
      %add3A_171 = arith.addi %add3A_170, %mul3A_169 : i32
      %dma_start3A = arith.constant 0 : i32
      %dma_start3A_172 = arith.constant 0 : i32
      %dma_start3A_173 = tpu.memref_slice %arg6[%add3A_171, %dma_start3A, %dma_start3A_172] : memref<4x128x64xf32, #tpu.memory_space<vmem>> -> memref<1x128x64xf32, #tpu.memory_space<vmem>>
      %dma_start3A_174 = tpu.memref_squeeze %dma_start3A_173 : memref<1x128x64xf32, #tpu.memory_space<vmem>> -> memref<128x64xf32, #tpu.memory_space<vmem>>
      %dma_start3A_175 = arith.constant 0 : i32
      %dma_start3A_176 = tpu.memref_slice %arg5[%add3A_171, %dma_start3A_175] : memref<200x128xi32, #tpu.memory_space<vmem>> -> memref<1x128xi32, #tpu.memory_space<vmem>>
      %dma_start3A_177 = tpu.memref_squeeze %dma_start3A_176 : memref<1x128xi32, #tpu.memory_space<vmem>> -> memref<128xi32, #tpu.memory_space<vmem>>
      %dma_start3A_178 = arith.constant 0 : i32
      %dma_start3A_179 = arith.constant 0 : i32
      %dma_start3A_180 = tpu.memref_slice %arg3[%dma_start3A_178, %dma_start3A_179] : memref<100000x64xf32, #tpu.memory_space<hbm>> -> memref<100000x64xf32, #tpu.memory_space<hbm>>
      %dma_start3A_181 = tpu.memref_slice %arg8[%add3A_171] : memref<4x!tpu.dma_semaphore, #tpu.memory_space<semaphore_mem>> -> memref<1x!tpu.dma_semaphore, #tpu.memory_space<semaphore_mem>>
      %dma_start3A_182 = tpu.memref_squeeze %dma_start3A_181 : memref<1x!tpu.dma_semaphore, #tpu.memory_space<semaphore_mem>> -> memref<!tpu.dma_semaphore, #tpu.memory_space<semaphore_mem>>
      tpu.enqueue_indirect_dma source(%dma_start3A_180 : memref<100000x64xf32, #tpu.memory_space<hbm>>) target(%dma_start3A_174 : memref<128x64xf32, #tpu.memory_space<vmem>>) offsets(%dma_start3A_177 : memref<128xi32, #tpu.memory_space<vmem>>) semaphore(%dma_start3A_182 : memref<!tpu.dma_semaphore, #tpu.memory_space<semaphore_mem>>)
    }
    %scan3A_156 = arith.constant 4 : i32
    %scan3A_157 = arith.constant 0 : i32
    %scan3A_158 = arith.constant 200 : i32
    %scan3A_159 = arith.addi %scan3A_157, %scan3A_158 : i32
    %scan3A_160 = arith.constant 1 : i32
    scf.for %scan3A_167 = %scan3A_157 to %scan3A_159 step %scan3A_160  : i32 {
      %mul3A_168 = arith.constant 1 : i32
      %mul3A_169 = arith.muli %scan3A_167, %mul3A_168 : i32
      %add3A_170 = arith.constant 0 : i32
      %add3A_171 = arith.addi %add3A_170, %mul3A_169 : i32
      %rem3A_172 = arith.constant 4 : i32
      %rem3A_173 = arith.remsi %add3A_171, %rem3A_172 : i32
      %dma_wait3A = arith.constant 0 : i32
      %dma_wait3A_174 = arith.constant 0 : i32
      %dma_wait3A_175 = tpu.memref_slice %arg6[%rem3A_173, %dma_wait3A, %dma_wait3A_174] : memref<4x128x64xf32, #tpu.memory_space<vmem>> -> memref<1x128x64xf32, #tpu.memory_space<vmem>>
      %dma_wait3A_176 = tpu.memref_squeeze %dma_wait3A_175 : memref<1x128x64xf32, #tpu.memory_space<vmem>> -> memref<128x64xf32, #tpu.memory_space<vmem>>
      %dma_wait3A_177 = arith.constant 0 : i32
      %dma_wait3A_178 = tpu.memref_slice %arg5[%add3A_171, %dma_wait3A_177] : memref<200x128xi32, #tpu.memory_space<vmem>> -> memref<1x128xi32, #tpu.memory_space<vmem>>
      %dma_wait3A_179 = tpu.memref_squeeze %dma_wait3A_178 : memref<1x128xi32, #tpu.memory_space<vmem>> -> memref<128xi32, #tpu.memory_space<vmem>>
      %dma_wait3A_180 = arith.constant 0 : i32
      %dma_wait3A_181 = arith.constant 0 : i32
      %dma_wait3A_182 = tpu.memref_slice %arg3[%dma_wait3A_180, %dma_wait3A_181] : memref<100000x64xf32, #tpu.memory_space<hbm>> -> memref<100000x64xf32, #tpu.memory_space<hbm>>
      %dma_wait3A_183 = tpu.memref_slice %arg8[%rem3A_173] : memref<4x!tpu.dma_semaphore, #tpu.memory_space<semaphore_mem>> -> memref<1x!tpu.dma_semaphore, #tpu.memory_space<semaphore_mem>>
      %dma_wait3A_184 = tpu.memref_squeeze %dma_wait3A_183 : memref<1x!tpu.dma_semaphore, #tpu.memory_space<semaphore_mem>> -> memref<!tpu.dma_semaphore, #tpu.memory_space<semaphore_mem>>
      tpu.wait_indirect_dma semaphore(%dma_wait3A_184 : memref<!tpu.dma_semaphore, #tpu.memory_space<semaphore_mem>>) src(%dma_wait3A_182 : memref<100000x64xf32, #tpu.memory_space<hbm>>) dst(%dma_wait3A_176 : memref<128x64xf32, #tpu.memory_space<vmem>>)
      %ge3A = arith.constant 4 : i32
      %ge3A_185 = arith.cmpi sge, %add3A_171, %ge3A : i32
      %convert_element_type3A = arith.extui %ge3A_185 : i1 to i32
      %cond3A = arith.constant 0 : i32
      %cond3A_186 = arith.cmpi ne, %convert_element_type3A, %cond3A : i32
      scf.if %cond3A_186 {
        %sub3A_243 = arith.constant 4 : i32
        %sub3A_244 = arith.subi %add3A_171, %sub3A_243 : i32
        %mul3A_245 = arith.constant 200 : i32
        %mul3A_246 = arith.muli %add3A, %mul3A_245 : i32
        %add3A_247 = arith.addi %mul3A_246, %sub3A_244 : i32
        %jit3A_248 = arith.constant 128 : i32
        %div3A_249 = arith.divsi %add3A_247, %jit3A_248 : i32
        %sign3A_250 = arith.constant 0 : i32
        %sign3A_251 = arith.cmpi sgt, %add3A_247, %sign3A_250 : i32
        %sign3A_252 = arith.extui %sign3A_251 : i1 to i32
        %sign3A_253 = arith.constant 0 : i32
        %sign3A_254 = arith.cmpi slt, %add3A_247, %sign3A_253 : i32
        %sign3A_255 = arith.extui %sign3A_254 : i1 to i32
        %sign3A_256 = arith.subi %sign3A_252, %sign3A_255 : i32
        %sign3A_257 = arith.constant 0 : i32
        %sign3A_258 = arith.cmpi sgt, %jit3A_248, %sign3A_257 : i32
        %sign3A_259 = arith.extui %sign3A_258 : i1 to i32
        %sign3A_260 = arith.constant 0 : i32
        %sign3A_261 = arith.cmpi slt, %jit3A_248, %sign3A_260 : i32
        %sign3A_262 = arith.extui %sign3A_261 : i1 to i32
        %sign3A_263 = arith.subi %sign3A_259, %sign3A_262 : i32
        %ne3A_264 = arith.cmpi ne, %sign3A_256, %sign3A_263 : i32
        %rem3A_265 = arith.remsi %add3A_247, %jit3A_248 : i32
        %ne3A_266 = arith.constant 0 : i32
        %ne3A_267 = arith.cmpi ne, %rem3A_265, %ne3A_266 : i32
        %and3A_268 = arith.andi %ne3A_264, %ne3A_267 : i1
        %sub3A_269 = arith.constant 1 : i32
        %sub3A_270 = arith.subi %div3A_249, %sub3A_269 : i32
        %select_n3A_271 = arith.select %and3A_268, %sub3A_270, %div3A_249 : i32
        %rem3A_272 = arith.constant 128 : i32
        %rem3A_273 = arith.remsi %add3A_247, %rem3A_272 : i32
        %dma_wait3A_274 = arith.constant 0 : i32
        %dma_wait3A_275 = arith.constant 0 : i32
        %dma_wait3A_276 = arith.constant 0 : i32
        %dma_wait3A_277 = tpu.memref_slice %arg7[%rem3A_173, %dma_wait3A_274, %dma_wait3A_275, %dma_wait3A_276] : memref<4x8x8x129xf32, #tpu.memory_space<vmem>> -> memref<1x8x8x128xf32, #tpu.memory_space<vmem>>
        %dma_wait3A_278 = tpu.memref_squeeze %dma_wait3A_277 : memref<1x8x8x128xf32, #tpu.memory_space<vmem>> -> memref<8x8x128xf32, #tpu.memory_space<vmem>>
        %dma_wait3A_279 = arith.constant 0 : i32
        %dma_wait3A_280 = arith.constant 0 : i32
        %dma_wait3A_281 = arith.constant 0 : i32
        %dma_wait3A_282 = tpu.memref_slice %arg4[%select_n3A_271, %dma_wait3A_279, %rem3A_273, %dma_wait3A_280, %dma_wait3A_281] : memref<50x8x128x8x128xf32, #tpu.memory_space<hbm>> -> memref<1x8x1x8x128xf32, #tpu.memory_space<hbm>>
        %dma_wait3A_283 = tpu.memref_squeeze %dma_wait3A_282 : memref<1x8x1x8x128xf32, #tpu.memory_space<hbm>> -> memref<8x8x128xf32, #tpu.memory_space<hbm>>
        %dma_wait3A_284 = tpu.memref_slice %arg9[%rem3A_173] : memref<4x!tpu.dma_semaphore, #tpu.memory_space<semaphore_mem>> -> memref<1x!tpu.dma_semaphore, #tpu.memory_space<semaphore_mem>>
        %dma_wait3A_285 = tpu.memref_squeeze %dma_wait3A_284 : memref<1x!tpu.dma_semaphore, #tpu.memory_space<semaphore_mem>> -> memref<!tpu.dma_semaphore, #tpu.memory_space<semaphore_mem>>
        %dma_wait3A_286 = arith.constant 0 : i32
        %dma_wait3A_287 = arith.constant 0 : i32
        %dma_wait3A_288 = arith.constant 0 : i32
        %dma_wait3A_289 = tpu.memref_slice %arg4[%select_n3A_271, %dma_wait3A_286, %rem3A_273, %dma_wait3A_287, %dma_wait3A_288] : memref<50x8x128x8x128xf32, #tpu.memory_space<hbm>> -> memref<1x8x1x8x128xf32, #tpu.memory_space<hbm>>
        %dma_wait3A_290 = tpu.memref_squeeze %dma_wait3A_289 : memref<1x8x1x8x128xf32, #tpu.memory_space<hbm>> -> memref<8x8x128xf32, #tpu.memory_space<hbm>>
        %dma_wait3A_291 = arith.constant 0 : i32
        %dma_wait3A_292 = arith.constant 0 : i32
        %dma_wait3A_293 = arith.constant 0 : i32
        %dma_wait3A_294 = tpu.memref_slice %arg7[%rem3A_173, %dma_wait3A_291, %dma_wait3A_292, %dma_wait3A_293] : memref<4x8x8x129xf32, #tpu.memory_space<vmem>> -> memref<1x8x8x128xf32, #tpu.memory_space<vmem>>
        %dma_wait3A_295 = tpu.memref_squeeze %dma_wait3A_294 : memref<1x8x8x128xf32, #tpu.memory_space<vmem>> -> memref<8x8x128xf32, #tpu.memory_space<vmem>>
        tpu.wait_dma2 semaphore(%dma_wait3A_285 : memref<!tpu.dma_semaphore, #tpu.memory_space<semaphore_mem>>) src(%dma_wait3A_295 : memref<8x8x128xf32, #tpu.memory_space<vmem>>) dst(%dma_wait3A_290 : memref<8x8x128xf32, #tpu.memory_space<hbm>>)
      } else {
      }
      %parallel_loop3A = arith.constant 0 : i32
      %parallel_loop3A_187 = arith.constant 128 : i32
      %parallel_loop3A_188 = arith.constant 1 : i32
      scf.for %parallel_loop3A_243 = %parallel_loop3A to %parallel_loop3A_187 step %parallel_loop3A_188  : i32 {
        %parallel_loop3A_244 = arith.constant 0 : i32
        %parallel_loop3A_245 = vector.broadcast %parallel_loop3A_244 : i32 to vector<16xi32>
        %parallel_loop3A_246 = vector.broadcast %parallel_loop3A_243 : i32 to vector<16xi32>
        %parallel_loop3A_247 = arith.addi %parallel_loop3A_245, %parallel_loop3A_246 : vector<16xi32>
        %parallel_loop3A_248 = arith.constant 0 : i32
        %parallel_loop3A_249 = arith.constant 0 : i32
        %parallel_loop3A_250 = tpu.memref_slice %arg6[%rem3A_173, %parallel_loop3A_248, %parallel_loop3A_249] : memref<4x128x64xf32, #tpu.memory_space<vmem>> -> memref<1x128x64xf32, #tpu.memory_space<vmem>>
        %parallel_loop3A_251 = tpu.memref_squeeze %parallel_loop3A_250 : memref<1x128x64xf32, #tpu.memory_space<vmem>> -> memref<128x64xf32, #tpu.memory_space<vmem>>
        %parallel_loop3A_252 = arith.constant 0 : i32
        %parallel_loop3A_253 = tpu.memref_slice %parallel_loop3A_251[%parallel_loop3A_243, %parallel_loop3A_252] : memref<128x64xf32, #tpu.memory_space<vmem>> -> memref<1x64xf32, #tpu.memory_space<vmem>>
        %parallel_loop3A_254 = tpu.memref_squeeze %parallel_loop3A_253 : memref<1x64xf32, #tpu.memory_space<vmem>> -> memref<64xf32, #tpu.memory_space<vmem>>
        %parallel_loop3A_255 = arith.constant 0 : index
        %parallel_loop3A_256 = tpu.vector_load %parallel_loop3A_254[%parallel_loop3A_255] {strides = array<i32>} : memref<64xf32, #tpu.memory_space<vmem>>, vector<16xf32>,
        %parallel_loop3A_257 = arith.constant 0 : i32
        %parallel_loop3A_258 = arith.constant 0 : i32
        %parallel_loop3A_259 = arith.constant 0 : i32
        %parallel_loop3A_260 = tpu.memref_slice %arg7[%rem3A_173, %parallel_loop3A_257, %parallel_loop3A_258, %parallel_loop3A_259] : memref<4x8x8x129xf32, #tpu.memory_space<vmem>> -> memref<1x8x8x129xf32, #tpu.memory_space<vmem>>
        %parallel_loop3A_261 = tpu.memref_squeeze %parallel_loop3A_260 : memref<1x8x8x129xf32, #tpu.memory_space<vmem>> -> memref<8x8x129xf32, #tpu.memory_space<vmem>>
        tpu.vector_store_idx %parallel_loop3A_261[%select_n3A, %rem3A_32, %parallel_loop3A_247], %parallel_loop3A_256 : memref<8x8x129xf32, #tpu.memory_space<vmem>>[vector<16xi32>, vector<16xi32>, vector<16xi32>], vector<16xf32>,
        %parallel_loop3A_262 = arith.constant 0 : i32
        %parallel_loop3A_263 = arith.constant 0 : i32
        %parallel_loop3A_264 = tpu.memref_slice %arg6[%rem3A_173, %parallel_loop3A_262, %parallel_loop3A_263] : memref<4x128x64xf32, #tpu.memory_space<vmem>> -> memref<1x128x64xf32, #tpu.memory_space<vmem>>
        %parallel_loop3A_265 = tpu.memref_squeeze %parallel_loop3A_264 : memref<1x128x64xf32, #tpu.memory_space<vmem>> -> memref<128x64xf32, #tpu.memory_space<vmem>>
        %parallel_loop3A_266 = arith.constant 0 : i32
        %parallel_loop3A_267 = tpu.memref_slice %parallel_loop3A_265[%parallel_loop3A_243, %parallel_loop3A_266] : memref<128x64xf32, #tpu.memory_space<vmem>> -> memref<1x64xf32, #tpu.memory_space<vmem>>
        %parallel_loop3A_268 = tpu.memref_squeeze %parallel_loop3A_267 : memref<1x64xf32, #tpu.memory_space<vmem>> -> memref<64xf32, #tpu.memory_space<vmem>>
        %parallel_loop3A_269 = arith.constant 16 : index
        %parallel_loop3A_270 = tpu.vector_load %parallel_loop3A_268[%parallel_loop3A_269] {strides = array<i32>} : memref<64xf32, #tpu.memory_space<vmem>>, vector<16xf32>,
        %parallel_loop3A_271 = arith.constant 0 : i32
        %parallel_loop3A_272 = arith.constant 0 : i32
        %parallel_loop3A_273 = arith.constant 0 : i32
        %parallel_loop3A_274 = tpu.memref_slice %arg7[%rem3A_173, %parallel_loop3A_271, %parallel_loop3A_272, %parallel_loop3A_273] : memref<4x8x8x129xf32, #tpu.memory_space<vmem>> -> memref<1x8x8x129xf32, #tpu.memory_space<vmem>>
        %parallel_loop3A_275 = tpu.memref_squeeze %parallel_loop3A_274 : memref<1x8x8x129xf32, #tpu.memory_space<vmem>> -> memref<8x8x129xf32, #tpu.memory_space<vmem>>
        tpu.vector_store_idx %parallel_loop3A_275[%select_n3A_66, %rem3A_72, %parallel_loop3A_247], %parallel_loop3A_270 : memref<8x8x129xf32, #tpu.memory_space<vmem>>[vector<16xi32>, vector<16xi32>, vector<16xi32>], vector<16xf32>,
        %parallel_loop3A_276 = arith.constant 0 : i32
        %parallel_loop3A_277 = arith.constant 0 : i32
        %parallel_loop3A_278 = tpu.memref_slice %arg6[%rem3A_173, %parallel_loop3A_276, %parallel_loop3A_277] : memref<4x128x64xf32, #tpu.memory_space<vmem>> -> memref<1x128x64xf32, #tpu.memory_space<vmem>>
        %parallel_loop3A_279 = tpu.memref_squeeze %parallel_loop3A_278 : memref<1x128x64xf32, #tpu.memory_space<vmem>> -> memref<128x64xf32, #tpu.memory_space<vmem>>
        %parallel_loop3A_280 = arith.constant 0 : i32
        %parallel_loop3A_281 = tpu.memref_slice %parallel_loop3A_279[%parallel_loop3A_243, %parallel_loop3A_280] : memref<128x64xf32, #tpu.memory_space<vmem>> -> memref<1x64xf32, #tpu.memory_space<vmem>>
        %parallel_loop3A_282 = tpu.memref_squeeze %parallel_loop3A_281 : memref<1x64xf32, #tpu.memory_space<vmem>> -> memref<64xf32, #tpu.memory_space<vmem>>
        %parallel_loop3A_283 = arith.constant 32 : index
        %parallel_loop3A_284 = tpu.vector_load %parallel_loop3A_282[%parallel_loop3A_283] {strides = array<i32>} : memref<64xf32, #tpu.memory_space<vmem>>, vector<16xf32>,
        %parallel_loop3A_285 = arith.constant 0 : i32
        %parallel_loop3A_286 = arith.constant 0 : i32
        %parallel_loop3A_287 = arith.constant 0 : i32
        %parallel_loop3A_288 = tpu.memref_slice %arg7[%rem3A_173, %parallel_loop3A_285, %parallel_loop3A_286, %parallel_loop3A_287] : memref<4x8x8x129xf32, #tpu.memory_space<vmem>> -> memref<1x8x8x129xf32, #tpu.memory_space<vmem>>
        %parallel_loop3A_289 = tpu.memref_squeeze %parallel_loop3A_288 : memref<1x8x8x129xf32, #tpu.memory_space<vmem>> -> memref<8x8x129xf32, #tpu.memory_space<vmem>>
        tpu.vector_store_idx %parallel_loop3A_289[%select_n3A_106, %rem3A_112, %parallel_loop3A_247], %parallel_loop3A_284 : memref<8x8x129xf32, #tpu.memory_space<vmem>>[vector<16xi32>, vector<16xi32>, vector<16xi32>], vector<16xf32>,
        %parallel_loop3A_290 = arith.constant 0 : i32
        %parallel_loop3A_291 = arith.constant 0 : i32
        %parallel_loop3A_292 = tpu.memref_slice %arg6[%rem3A_173, %parallel_loop3A_290, %parallel_loop3A_291] : memref<4x128x64xf32, #tpu.memory_space<vmem>> -> memref<1x128x64xf32, #tpu.memory_space<vmem>>
        %parallel_loop3A_293 = tpu.memref_squeeze %parallel_loop3A_292 : memref<1x128x64xf32, #tpu.memory_space<vmem>> -> memref<128x64xf32, #tpu.memory_space<vmem>>
        %parallel_loop3A_294 = arith.constant 0 : i32
        %parallel_loop3A_295 = tpu.memref_slice %parallel_loop3A_293[%parallel_loop3A_243, %parallel_loop3A_294] : memref<128x64xf32, #tpu.memory_space<vmem>> -> memref<1x64xf32, #tpu.memory_space<vmem>>
        %parallel_loop3A_296 = tpu.memref_squeeze %parallel_loop3A_295 : memref<1x64xf32, #tpu.memory_space<vmem>> -> memref<64xf32, #tpu.memory_space<vmem>>
        %parallel_loop3A_297 = arith.constant 48 : index
        %parallel_loop3A_298 = tpu.vector_load %parallel_loop3A_296[%parallel_loop3A_297] {strides = array<i32>} : memref<64xf32, #tpu.memory_space<vmem>>, vector<16xf32>,
        %parallel_loop3A_299 = arith.constant 0 : i32
        %parallel_loop3A_300 = arith.constant 0 : i32
        %parallel_loop3A_301 = arith.constant 0 : i32
        %parallel_loop3A_302 = tpu.memref_slice %arg7[%rem3A_173, %parallel_loop3A_299, %parallel_loop3A_300, %parallel_loop3A_301] : memref<4x8x8x129xf32, #tpu.memory_space<vmem>> -> memref<1x8x8x129xf32, #tpu.memory_space<vmem>>
        %parallel_loop3A_303 = tpu.memref_squeeze %parallel_loop3A_302 : memref<1x8x8x129xf32, #tpu.memory_space<vmem>> -> memref<8x8x129xf32, #tpu.memory_space<vmem>>
        tpu.vector_store_idx %parallel_loop3A_303[%select_n3A_146, %rem3A_152, %parallel_loop3A_247], %parallel_loop3A_298 : memref<8x8x129xf32, #tpu.memory_space<vmem>>[vector<16xi32>, vector<16xi32>, vector<16xi32>], vector<16xf32>,
      } {sc.loop_unroll_factor = 4 : i64, sc.parallel_access}
      %mul3A_189 = arith.constant 200 : i32
      %mul3A_190 = arith.muli %add3A, %mul3A_189 : i32
      %add3A_191 = arith.addi %mul3A_190, %add3A_171 : i32
      %jit3A_192 = arith.constant 128 : i32
      %div3A_193 = arith.divsi %add3A_191, %jit3A_192 : i32
      %sign3A_194 = arith.constant 0 : i32
      %sign3A_195 = arith.cmpi sgt, %add3A_191, %sign3A_194 : i32
      %sign3A_196 = arith.extui %sign3A_195 : i1 to i32
      %sign3A_197 = arith.constant 0 : i32
      %sign3A_198 = arith.cmpi slt, %add3A_191, %sign3A_197 : i32
      %sign3A_199 = arith.extui %sign3A_198 : i1 to i32
      %sign3A_200 = arith.subi %sign3A_196, %sign3A_199 : i32
      %sign3A_201 = arith.constant 0 : i32
      %sign3A_202 = arith.cmpi sgt, %jit3A_192, %sign3A_201 : i32
      %sign3A_203 = arith.extui %sign3A_202 : i1 to i32
      %sign3A_204 = arith.constant 0 : i32
      %sign3A_205 = arith.cmpi slt, %jit3A_192, %sign3A_204 : i32
      %sign3A_206 = arith.extui %sign3A_205 : i1 to i32
      %sign3A_207 = arith.subi %sign3A_203, %sign3A_206 : i32
      %ne3A_208 = arith.cmpi ne, %sign3A_200, %sign3A_207 : i32
      %rem3A_209 = arith.remsi %add3A_191, %jit3A_192 : i32
      %ne3A_210 = arith.constant 0 : i32
      %ne3A_211 = arith.cmpi ne, %rem3A_209, %ne3A_210 : i32
      %and3A_212 = arith.andi %ne3A_208, %ne3A_211 : i1
      %sub3A_213 = arith.constant 1 : i32
      %sub3A_214 = arith.subi %div3A_193, %sub3A_213 : i32
      %select_n3A_215 = arith.select %and3A_212, %sub3A_214, %div3A_193 : i32
      %rem3A_216 = arith.constant 128 : i32
      %rem3A_217 = arith.remsi %add3A_191, %rem3A_216 : i32
      %dma_start3A = arith.constant 0 : i32
      %dma_start3A_218 = arith.constant 0 : i32
      %dma_start3A_219 = arith.constant 0 : i32
      %dma_start3A_220 = tpu.memref_slice %arg7[%rem3A_173, %dma_start3A, %dma_start3A_218, %dma_start3A_219] : memref<4x8x8x129xf32, #tpu.memory_space<vmem>> -> memref<1x8x8x128xf32, #tpu.memory_space<vmem>>
      %dma_start3A_221 = tpu.memref_squeeze %dma_start3A_220 : memref<1x8x8x128xf32, #tpu.memory_space<vmem>> -> memref<8x8x128xf32, #tpu.memory_space<vmem>>
      %dma_start3A_222 = arith.constant 0 : i32
      %dma_start3A_223 = arith.constant 0 : i32
      %dma_start3A_224 = arith.constant 0 : i32
      %dma_start3A_225 = tpu.memref_slice %arg4[%select_n3A_215, %dma_start3A_222, %rem3A_217, %dma_start3A_223, %dma_start3A_224] : memref<50x8x128x8x128xf32, #tpu.memory_space<hbm>> -> memref<1x8x1x8x128xf32, #tpu.memory_space<hbm>>
      %dma_start3A_226 = tpu.memref_squeeze %dma_start3A_225 : memref<1x8x1x8x128xf32, #tpu.memory_space<hbm>> -> memref<8x8x128xf32, #tpu.memory_space<hbm>>
      %dma_start3A_227 = tpu.memref_slice %arg9[%rem3A_173] : memref<4x!tpu.dma_semaphore, #tpu.memory_space<semaphore_mem>> -> memref<1x!tpu.dma_semaphore, #tpu.memory_space<semaphore_mem>>
      %dma_start3A_228 = tpu.memref_squeeze %dma_start3A_227 : memref<1x!tpu.dma_semaphore, #tpu.memory_space<semaphore_mem>> -> memref<!tpu.dma_semaphore, #tpu.memory_space<semaphore_mem>>
      %dma_start3A_229 = arith.constant 0 : i32
      %dma_start3A_230 = arith.constant 0 : i32
      %dma_start3A_231 = arith.constant 0 : i32
      %dma_start3A_232 = tpu.memref_slice %arg4[%select_n3A_215, %dma_start3A_229, %rem3A_217, %dma_start3A_230, %dma_start3A_231] : memref<50x8x128x8x128xf32, #tpu.memory_space<hbm>> -> memref<1x8x1x8x128xf32, #tpu.memory_space<hbm>>
      %dma_start3A_233 = tpu.memref_squeeze %dma_start3A_232 : memref<1x8x1x8x128xf32, #tpu.memory_space<hbm>> -> memref<8x8x128xf32, #tpu.memory_space<hbm>>
      %dma_start3A_234 = arith.constant 0 : i32
      %dma_start3A_235 = arith.constant 0 : i32
      %dma_start3A_236 = arith.constant 0 : i32
      %dma_start3A_237 = tpu.memref_slice %arg7[%rem3A_173, %dma_start3A_234, %dma_start3A_235, %dma_start3A_236] : memref<4x8x8x129xf32, #tpu.memory_space<vmem>> -> memref<1x8x8x128xf32, #tpu.memory_space<vmem>>
      %dma_start3A_238 = tpu.memref_squeeze %dma_start3A_237 : memref<1x8x8x128xf32, #tpu.memory_space<vmem>> -> memref<8x8x128xf32, #tpu.memory_space<vmem>>
      tpu.enqueue_dma source(%dma_start3A_238 : memref<8x8x128xf32, #tpu.memory_space<vmem>>) target(%dma_start3A_233 : memref<8x8x128xf32, #tpu.memory_space<hbm>>) target_semaphore(%dma_start3A_228 : memref<!tpu.dma_semaphore, #tpu.memory_space<semaphore_mem>>)
      %lt3A = arith.constant 196 : i32
      %lt3A_239 = arith.cmpi slt, %add3A_171, %lt3A : i32
      %convert_element_type3A_240 = arith.extui %lt3A_239 : i1 to i32
      %cond3A_241 = arith.constant 0 : i32
      %cond3A_242 = arith.cmpi ne, %convert_element_type3A_240, %cond3A_241 : i32
      scf.if %cond3A_242 {
        %add3A_243 = arith.constant 4 : i32
        %add3A_244 = arith.addi %add3A_171, %add3A_243 : i32
        %dma_start3A_245 = arith.constant 0 : i32
        %dma_start3A_246 = arith.constant 0 : i32
        %dma_start3A_247 = tpu.memref_slice %arg6[%rem3A_173, %dma_start3A_245, %dma_start3A_246] : memref<4x128x64xf32, #tpu.memory_space<vmem>> -> memref<1x128x64xf32, #tpu.memory_space<vmem>>
        %dma_start3A_248 = tpu.memref_squeeze %dma_start3A_247 : memref<1x128x64xf32, #tpu.memory_space<vmem>> -> memref<128x64xf32, #tpu.memory_space<vmem>>
        %dma_start3A_249 = arith.constant 0 : i32
        %dma_start3A_250 = tpu.memref_slice %arg5[%add3A_244, %dma_start3A_249] : memref<200x128xi32, #tpu.memory_space<vmem>> -> memref<1x128xi32, #tpu.memory_space<vmem>>
        %dma_start3A_251 = tpu.memref_squeeze %dma_start3A_250 : memref<1x128xi32, #tpu.memory_space<vmem>> -> memref<128xi32, #tpu.memory_space<vmem>>
        %dma_start3A_252 = arith.constant 0 : i32
        %dma_start3A_253 = arith.constant 0 : i32
        %dma_start3A_254 = tpu.memref_slice %arg3[%dma_start3A_252, %dma_start3A_253] : memref<100000x64xf32, #tpu.memory_space<hbm>> -> memref<100000x64xf32, #tpu.memory_space<hbm>>
        %dma_start3A_255 = tpu.memref_slice %arg8[%rem3A_173] : memref<4x!tpu.dma_semaphore, #tpu.memory_space<semaphore_mem>> -> memref<1x!tpu.dma_semaphore, #tpu.memory_space<semaphore_mem>>
        %dma_start3A_256 = tpu.memref_squeeze %dma_start3A_255 : memref<1x!tpu.dma_semaphore, #tpu.memory_space<semaphore_mem>> -> memref<!tpu.dma_semaphore, #tpu.memory_space<semaphore_mem>>
        tpu.enqueue_indirect_dma source(%dma_start3A_254 : memref<100000x64xf32, #tpu.memory_space<hbm>>) target(%dma_start3A_248 : memref<128x64xf32, #tpu.memory_space<vmem>>) offsets(%dma_start3A_251 : memref<128xi32, #tpu.memory_space<vmem>>) semaphore(%dma_start3A_256 : memref<!tpu.dma_semaphore, #tpu.memory_space<semaphore_mem>>)
      } else {
      }
    }
    %scan3A_161 = arith.constant 200 : i32
    %scan3A_162 = arith.constant 0 : i32
    %scan3A_163 = arith.constant 4 : i32
    %scan3A_164 = arith.addi %scan3A_162, %scan3A_163 : i32
    %scan3A_165 = arith.constant 1 : i32
    scf.for %scan3A_167 = %scan3A_162 to %scan3A_164 step %scan3A_165  : i32 {
      %mul3A_168 = arith.constant 1 : i32
      %mul3A_169 = arith.muli %scan3A_167, %mul3A_168 : i32
      %add3A_170 = arith.constant 196 : i32
      %add3A_171 = arith.addi %add3A_170, %mul3A_169 : i32
      %rem3A_172 = arith.constant 4 : i32
      %rem3A_173 = arith.remsi %add3A_171, %rem3A_172 : i32
      %mul3A_174 = arith.constant 200 : i32
      %mul3A_175 = arith.muli %add3A, %mul3A_174 : i32
      %add3A_176 = arith.addi %mul3A_175, %add3A_171 : i32
      %jit3A_177 = arith.constant 128 : i32
      %div3A_178 = arith.divsi %add3A_176, %jit3A_177 : i32
      %sign3A_179 = arith.constant 0 : i32
      %sign3A_180 = arith.cmpi sgt, %add3A_176, %sign3A_179 : i32
      %sign3A_181 = arith.extui %sign3A_180 : i1 to i32
      %sign3A_182 = arith.constant 0 : i32
      %sign3A_183 = arith.cmpi slt, %add3A_176, %sign3A_182 : i32
      %sign3A_184 = arith.extui %sign3A_183 : i1 to i32
      %sign3A_185 = arith.subi %sign3A_181, %sign3A_184 : i32
      %sign3A_186 = arith.constant 0 : i32
      %sign3A_187 = arith.cmpi sgt, %jit3A_177, %sign3A_186 : i32
      %sign3A_188 = arith.extui %sign3A_187 : i1 to i32
      %sign3A_189 = arith.constant 0 : i32
      %sign3A_190 = arith.cmpi slt, %jit3A_177, %sign3A_189 : i32
      %sign3A_191 = arith.extui %sign3A_190 : i1 to i32
      %sign3A_192 = arith.subi %sign3A_188, %sign3A_191 : i32
      %ne3A_193 = arith.cmpi ne, %sign3A_185, %sign3A_192 : i32
      %rem3A_194 = arith.remsi %add3A_176, %jit3A_177 : i32
      %ne3A_195 = arith.constant 0 : i32
      %ne3A_196 = arith.cmpi ne, %rem3A_194, %ne3A_195 : i32
      %and3A_197 = arith.andi %ne3A_193, %ne3A_196 : i1
      %sub3A_198 = arith.constant 1 : i32
      %sub3A_199 = arith.subi %div3A_178, %sub3A_198 : i32
      %select_n3A_200 = arith.select %and3A_197, %sub3A_199, %div3A_178 : i32
      %rem3A_201 = arith.constant 128 : i32
      %rem3A_202 = arith.remsi %add3A_176, %rem3A_201 : i32
      %dma_wait3A = arith.constant 0 : i32
      %dma_wait3A_203 = arith.constant 0 : i32
      %dma_wait3A_204 = arith.constant 0 : i32
      %dma_wait3A_205 = tpu.memref_slice %arg7[%rem3A_173, %dma_wait3A, %dma_wait3A_203, %dma_wait3A_204] : memref<4x8x8x129xf32, #tpu.memory_space<vmem>> -> memref<1x8x8x128xf32, #tpu.memory_space<vmem>>
      %dma_wait3A_206 = tpu.memref_squeeze %dma_wait3A_205 : memref<1x8x8x128xf32, #tpu.memory_space<vmem>> -> memref<8x8x128xf32, #tpu.memory_space<vmem>>
      %dma_wait3A_207 = arith.constant 0 : i32
      %dma_wait3A_208 = arith.constant 0 : i32
      %dma_wait3A_209 = arith.constant 0 : i32
      %dma_wait3A_210 = tpu.memref_slice %arg4[%select_n3A_200, %dma_wait3A_207, %rem3A_202, %dma_wait3A_208, %dma_wait3A_209] : memref<50x8x128x8x128xf32, #tpu.memory_space<hbm>> -> memref<1x8x1x8x128xf32, #tpu.memory_space<hbm>>
      %dma_wait3A_211 = tpu.memref_squeeze %dma_wait3A_210 : memref<1x8x1x8x128xf32, #tpu.memory_space<hbm>> -> memref<8x8x128xf32, #tpu.memory_space<hbm>>
      %dma_wait3A_212 = tpu.memref_slice %arg9[%rem3A_173] : memref<4x!tpu.dma_semaphore, #tpu.memory_space<semaphore_mem>> -> memref<1x!tpu.dma_semaphore, #tpu.memory_space<semaphore_mem>>
      %dma_wait3A_213 = tpu.memref_squeeze %dma_wait3A_212 : memref<1x!tpu.dma_semaphore, #tpu.memory_space<semaphore_mem>> -> memref<!tpu.dma_semaphore, #tpu.memory_space<semaphore_mem>>
      %dma_wait3A_214 = arith.constant 0 : i32
      %dma_wait3A_215 = arith.constant 0 : i32
      %dma_wait3A_216 = arith.constant 0 : i32
      %dma_wait3A_217 = tpu.memref_slice %arg4[%select_n3A_200, %dma_wait3A_214, %rem3A_202, %dma_wait3A_215, %dma_wait3A_216] : memref<50x8x128x8x128xf32, #tpu.memory_space<hbm>> -> memref<1x8x1x8x128xf32, #tpu.memory_space<hbm>>
      %dma_wait3A_218 = tpu.memref_squeeze %dma_wait3A_217 : memref<1x8x1x8x128xf32, #tpu.memory_space<hbm>> -> memref<8x8x128xf32, #tpu.memory_space<hbm>>
      %dma_wait3A_219 = arith.constant 0 : i32
      %dma_wait3A_220 = arith.constant 0 : i32
      %dma_wait3A_221 = arith.constant 0 : i32
      %dma_wait3A_222 = tpu.memref_slice %arg7[%rem3A_173, %dma_wait3A_219, %dma_wait3A_220, %dma_wait3A_221] : memref<4x8x8x129xf32, #tpu.memory_space<vmem>> -> memref<1x8x8x128xf32, #tpu.memory_space<vmem>>
      %dma_wait3A_223 = tpu.memref_squeeze %dma_wait3A_222 : memref<1x8x8x128xf32, #tpu.memory_space<vmem>> -> memref<8x8x128xf32, #tpu.memory_space<vmem>>
      tpu.wait_dma2 semaphore(%dma_wait3A_213 : memref<!tpu.dma_semaphore, #tpu.memory_space<semaphore_mem>>) src(%dma_wait3A_223 : memref<8x8x128xf32, #tpu.memory_space<vmem>>) dst(%dma_wait3A_218 : memref<8x8x128xf32, #tpu.memory_space<hbm>>)
    }
    %scan3A_166 = arith.constant 4 : i32
    return
  }
}

</mosaic_0001>

<sc_bundles>
// kernel: kernel.3.cloned.1.call-start
scs
__scs_entry_jumppad:
0x0: {  	(pc) =	sbr.rel $0x88, $3  }
0x1: {  	(tag) =	ssettag $0x0;
	lr =	simm.s32 $0x1  }
0x2: {  	[smem:$0x3F9F] =	sst lr;
	_ =	strace $0xD0000000  }
0x3: {  	_ = 	snop  }
0x4: {  	_ = 	snop  }
0x5: {  	_ = 	snop  }
0x6: {  	_ = 	snop  }
0x7: {  	_ = 	snop  }
__scs_overlays_trampoline_lowered:
0x8: {  	[smem:$0x3FAE] =	sst s0  }
0x9: {  	[smem:$0x3FAF] =	sst s1  }
0xa: {  	[smem:$0x3FB0] =	sst s2  }
0xb: {  	[smem:$0x3FB1] =	sst s3  }
0xc: {  	[smem:$0x3FB2] =	sst s4  }
0xd: {  	[smem:$0x3FB3] =	sst s5  }
0xe: {  	[smem:$0x3FB4] =	sst s6  }
0xf: {  	[smem:$0x3FB5] =	sst s7  }
0x10: {  	[smem:$0x3FB6] =	sst s8  }
0x11: {  	[smem:$0x3FB7] =	sst s9;
	s0 =	simm.s32 @!p0 $0x0  }
0x12: {  	s1 =	sld [smem:$0x3F9D];
	s0 =	simm.s32 @p0 $0x1  }
0x13: {  	[smem:$0x3FB8] =	sst s0;
	s0 =	simm.s32 @!p1 $0x0  }
0x14: {  	s2 =	sld [smem:$0x3F9C];
	s0 =	simm.s32 @p1 $0x1  }
0x15: {  	[smem:$0x3FB9] =	sst s0;
	s0 =	simm.s32 @!p2 $0x0  }
0x16: {  	s3 =	sld [smem:$0x3FDB];
	s0 =	simm.s32 @p2 $0x1  }
0x17: {  	s4 =	simm.s32 $0x1BF5;
	[smem:$0x3FBB] =	sst s0  }
0x18: {  	s0 =	sld [smem:$0x3F9E];
	_ =	swait.ge [sflag:s4], $0x0  }
0x19: {  	s7 =	sld [smem:$0x3F9F]  }
0x1a: {  	s8 =	sadd.s32 $0xFFFFE003, lr  }
0x1b: {  	s9 =	sadd.s32 $0xFFFFFEF7, lr;
	s5 =	simm.s32 $0xFFFFFFFF;
	p2 =	slt.u32 s8, $0xFFFFF086  }
0x1c: {  	p1 =	slt.u32 s9, $0xF7A;
	s5 =	simm.s32 @!p2 $0x0  }
0x1d: {  	s5 =	simm.s32 @p1 $0x1;
	p0 =	seq.s32 s7, s2  }
0x1e: {  	s7 =	smul.u32 @!p0 $0xF7A, s2;
	p2 =	seq.s32 @!p0 s5, $0x0  }
0x1f: {  	s9 =	smul.u32 $0xF7A, s1;
	s8 =	simm.s32 @!p0 $0x1BF5;
	p2 =	por !p2, p0  }
0x20: {  	[sflag:s8] =	ssyncset.s32 @!p0 $0xFFFFF086;
	s6 =	sadd.s32 @!p0 s3, s7;
	s7 =	simm.s32 @!p0 $0x108  }
0x21: {  	s3 =	sadd.s32 s3, s9;
	s6 =	sadd.s32 @!p0 $0x88, s6;
	s7 =	simm.s32 @p2 $0x1082  }
0x22: {  	[simem:s7], [sflag:s8] =	dma.local @!p0 [hbm:s6], $0xF7A  }
0x23: {  	s9 =	sor.u32 $0xD0000000, s2;
	s6 =	simm.s32 $0x108;
	_ =	swait.ge @!p0 [sflag:s8], $0x0  }
0x24: {  	s3 =	sadd.s32 $0x88, s3;
	s6 =	simm.s32 @!p1 $0x1082;
	[sflag:s4] =	ssyncset.s32 $0xFFFFF086  }
0x25: {  	[simem:s6], [sflag:s4] =	dma.local [hbm:s3], $0xF7A  }
0x26: {  	[smem:$0x3F9F] =	sst s1;
	(tag) =	ssettag s2;
	_ =	strace s9  }
0x27: {  	s1 =	sld [smem:$0x3FAF]  }
0x28: {  	s2 =	sld [smem:$0x3FB0]  }
0x29: {  	s4 =	sld [smem:$0x3FB2]  }
0x2a: {  	p0 =	seq.s32 s5, $0x0;
	s5 =	sld [smem:$0x3FB3]  }
0x2b: {  	s6 =	sld [smem:$0x3FB4]  }
0x2c: {  	s7 =	sld [smem:$0x3FB5]  }
0x2d: {  	s3 =	simm.s32 $0x108;
	s8 =	sld [smem:$0x3FB6]  }
0x2e: {  	s3 =	simm.s32 @!p0 $0x1082;
	s9 =	sld [smem:$0x3FB7]  }
0x2f: {  	lr =	sadd.s32 s0, s3;
	s0 =	sld [smem:$0x3FAE]  }
0x30: {  	s3 =	sld [smem:$0x3FB1]  }
0x31: {  	[smem:$0x3FBA] =	sst s10  }
0x32: {  	s10 =	sld [smem:$0x3FB8];
	_ =	sdelay $0x3  }
0x33: {  	p0 =	seq.s32 s10, $0x1;
	s10 =	sld [smem:$0x3FBA];
	_ =	sdelay $0x3  }
0x34: {  	[smem:$0x3FBA] =	sst s10  }
0x35: {  	s10 =	sld [smem:$0x3FB9];
	_ =	sdelay $0x3  }
0x36: {  	p1 =	seq.s32 s10, $0x1;
	s10 =	sld [smem:$0x3FBA];
	_ =	sdelay $0x3  }
0x37: {  	[smem:$0x3FBA] =	sst s10  }
0x38: {  	s10 =	sld [smem:$0x3FBB]  }
0x39: {  	_ = 	snop;
	(pc) =	sbr.ind lr, $3  }
0x3a: {  	_ = 	snop  }
0x3b: {  	_ = 	snop  }
0x3c: {  	p2 =	seq.s32 s10, $0x1;
	s10 =	sld [smem:$0x3FBA]  }
0x3d: {  	_ =	shalt  }
0x3e: {  	_ =	shalt  }
0x3f: {  	_ =	shalt  }
0x40: {  	_ =	shalt  }
0x41: {  	_ =	shalt  }
0x42: {  	_ =	shalt  }
0x43: {  	_ =	shalt  }
0x44: {  	_ =	shalt  }
0x45: {  	_ =	shalt  }
0x46: {  	_ =	shalt  }
0x47: {  	_ =	shalt  }
0x48: {  	_ =	shalt  }
0x49: {  	_ =	shalt  }
0x4a: {  	_ =	shalt  }
0x4b: {  	_ =	shalt  }
0x4c: {  	_ =	shalt  }
0x4d: {  	_ =	shalt  }
0x4e: {  	_ =	shalt  }
0x4f: {  	_ =	shalt  }
0x50: {  	_ =	shalt  }
0x51: {  	_ =	shalt  }
0x52: {  	_ =	shalt  }
0x53: {  	_ =	shalt  }
0x54: {  	_ =	shalt  }
0x55: {  	_ =	shalt  }
0x56: {  	_ =	shalt  }
0x57: {  	_ =	shalt  }
0x58: {  	_ =	shalt  }
0x59: {  	_ =	shalt  }
0x5a: {  	_ =	shalt  }
0x5b: {  	_ =	shalt  }
0x5c: {  	_ =	shalt  }
0x5d: {  	_ =	shalt  }
0x5e: {  	_ =	shalt  }
0x5f: {  	_ =	shalt  }
0x60: {  	_ =	shalt  }
0x61: {  	_ =	shalt  }
0x62: {  	_ =	shalt  }
0x63: {  	_ =	shalt  }
0x64: {  	_ =	shalt  }
0x65: {  	_ =	shalt  }
0x66: {  	_ =	shalt  }
0x67: {  	_ =	shalt  }
0x68: {  	_ =	shalt  }
0x69: {  	_ =	shalt  }
0x6a: {  	_ =	shalt  }
0x6b: {  	_ =	shalt  }
0x6c: {  	_ =	shalt  }
0x6d: {  	_ =	shalt  }
0x6e: {  	_ =	shalt  }
0x6f: {  	_ =	shalt  }
0x70: {  	_ =	shalt  }
0x71: {  	_ =	shalt  }
0x72: {  	_ =	shalt  }
0x73: {  	_ =	shalt  }
0x74: {  	_ =	shalt  }
0x75: {  	_ =	shalt  }
0x76: {  	_ =	shalt  }
0x77: {  	_ =	shalt  }
0x78: {  	_ =	shalt  }
0x79: {  	_ =	shalt  }
0x7a: {  	_ =	shalt  }
0x7b: {  	_ =	shalt  }
0x7c: {  	_ =	shalt  }
0x7d: {  	_ =	shalt  }
0x7e: {  	_ =	shalt  }
0x7f: {  	_ =	shalt  }
0x80: {  	_ =	shalt  }
0x81: {  	_ =	shalt  }
0x82: {  	_ =	shalt  }
0x83: {  	_ =	shalt  }
0x84: {  	_ =	shalt  }
0x85: {  	_ =	shalt  }
0x86: {  	_ =	shalt  }
0x87: {  	_ =	shalt  }
.Lfunc_end0:
.L_simem_size_0:
called_computation_lowered:
.L_overlay_start_0:
0x88: {  	s2 =	sld [smem:$0x3FD9]  }
0x89: {  	s3 =	sld [smem:$0x3FFE];
	_ =	sdelay $0x1  }
0x8a: {  	s1 =	srdreg.scid  }
0x8b: {  	s0 =	sand.u32 $0x1, s1  }
0x8c: {  	s17 =	sshll.u32 s0, $0xA;
	s2 =	sadd.s32 s3, s2  }
0x8d: {  	s2 =	sadd.s32 s2, s17  }
0x8e: {  	[smem:$0x3FC6] =	sst s2  }
0x8f: {  	_ = 	snop  }
0x90: {  	s2 =	sld [smem:$0x3FD0];
	(tm) =	ssettm $0x1  }
0x91: {  	s18 =	sld [smem:$0x3FFB];
	_ =	sdelay $0x3  }
0x92: {  	_ =	strace s18  }
0x93: {  	s3 =	sld [smem:$0x3FFC];
	_ =	sdelay $0x3  }
0x94: {  	_ =	strace s3  }
0x95: {  	s3 =	sld [smem:$0x3FFD];
	_ =	sdelay $0x3  }
0x96: {  	_ =	strace s3  }
0x97: {  	_ =	strace $0x8FFFFFFF  }
0x98: {  	s19 =	sld [smem:$0x3FDB];
	_ =	sdelay $0x1  }
0x99: {  	s4 =	simm.s32 $_scs_section_size  }
0x9a: {  	s5 =	simm.s32 $_size__tile_overlayer_lowered;
	s6 =	simm.s32 $_tile_overlayer_lowered  }
0x9b: {  	s22 =	simm.s32 $0x1BFF;
	s21 =	sshll.u32 s6, $0x1;
	s3 =	sadd.s32 s4, s19  }
0x9c: {  	s7 =	simm.s32 $0x0;
	s20 =	sshll.u32 s5, $0x1;
	s5 =	sadd.s32 s21, s3  }
0x9d: {  	[timem:s7], [sflag:s22] =	dma.local [hbm:s5], s20  }
0x9e: {  	_ =	swait.ge [sflag:s22], s20  }
0x9f: {  	s4 =	ssub.s32 $0x0, s20;
	[sflag:s22] =	ssyncset.done $0x0  }
0xa0: {  	[sflag:s22] =	ssyncadd.s32 s4;
	_ =	sdelay $0x1  }
0xa1: {  	s23 =	simm.s32 $0x1B8B  }
0xa2: {  	_ =	swait.ge [sflag:s23], $0x1  }
0xa3: {  	[sflag:s23] =	ssyncset.done $0x0  }
0xa4: {  	s25 =	simm.s32 $0x1B8E;
	s24 =	sld [smem:$0x3FFE];
	[sflag:s23] =	ssyncadd.s32 $0xFFFFFFFF  }
0xa5: {  	s26 =	simm.s32 $execute0_lowered;
	[smem:$0x3FD2] =	sst s25  }
0xa6: {  	s5 =	sshll.u32 s26, $0x1;
	_ =	strace $0x80000046;
	[dreg:$0x1] =	wrdreg $0xFFFFFFFF  }
0xa7: {  	s28 =	simm.s32 $_size_execute0_lowered;
	s3 =	sadd.s32 s3, s5;
	[dreg:$0x0] =	wrdreg $0x0  }
0xa8: {  	s5 =	sshll.u32 s28, $0x1;
	[dreg:$0x2] =	wrdreg s3  }
0xa9: {  	[dreg:$0x3] =	wrdreg s5  }
0xaa: {  	[dreg:$0x4] =	wrdreg $0xC0  }
0xab: {  	_ =	task [dreg:s7], $0x5FFFF  }
0xac: {  	[dreg:$0x1] =	wrdreg $0xFFFFFFFF  }
0xad: {  	[dreg:$0x0] =	wrdreg $0x60  }
0xae: {  	[dreg:$0x2] =	wrdreg s24  }
0xaf: {  	[dreg:$0x3] =	wrdreg s2  }
0xb0: {  	[dreg:$0x4] =	wrdreg $0x9  }
0xb1: {  	_ =	task.clear_ibuf [dreg:s7], $0x5FFFF;
	_ =	strace $0x90000046  }
0xb2: {  	s29 =	simm.s32 $0x9;
	_ =	strace $0x80000048  }
0xb3: {  	_ =	swait.ge [sflag:s29], $0x1  }
0xb4: {  	[sflag:s29] =	ssyncadd.s32 $0xFFFFFFFF  }
0xb5: {  	_ =	strace $0x90000048  }
0xb6: {  	_ =	sfence  }
0xb7: {  	s30 =	sld [smem:$0x0];
	_ =	sdelay $0x2  }
0xb8: {  	s31 =	sshll.u32 s1, $0xD;
	s1 =	sshrl.u32 s1, $0x2  }
0xb9: {  	s3 =	sand.u32 $0x4000, s31;
	s1 =	sadd.s32 s1, s30  }
0xba: {  	s0 =	sor.u32 s3, s0;
	s1 =	sshll.u32 s1, $0x11  }
0xbb: {  	s0 =	sor.u32 s1, s0  }
0xbc: {  	s0 =	sadd.s32 $0x8F2B, s0  }
0xbd: {  	[sflag:s0] =	ssyncadd.remote.s32 $0x1  }
0xbe: {  	_ =	sfence.sel $0xFFFF  }
0xbf: {  	[dreg:$0x0] =	wrdreg $0xFFFFFFFF;
	(pc) =	sbr.abs _section_cstart, $3  }
0xc0: {  	[dreg:$0x1] =	wrdreg $0xFFFFFFFF  }
0xc1: {  	_ =	task.clear_ibuf [dreg:s7], $0x2FFFF;
	_ =	strace $0x9FFFFFFF  }
0xc2: {  	(tm) =	ssettm $0x7FFFFFFF  }
0xc3: {  	_ =	shalt  }
tec
execute0_lowered:
.L_overlay_start_1:
0x0: {  	(tag) =	ssettag $0x1  }
0x1: {  	s0 =	srdreg.scid;
	s2 =	stileid.u32  }
0x2: {  	s1 =	rddreg [dreg:$0x0];
	s8 =	simm.s32 $0x9;
	s9 =	simm.s32 $0x80  }
0x3: {  	s10 =	simm.s32 $0x6400;
	s11 =	simm.s32 $0x8400;
	s12 =	simm.s32 $0x100  }
0x4: {  	s13 =	simm.s32 $0xA400;
	s14 =	simm.s32 $0x180;
	s15 =	simm.s32 $0xC400  }
0x5: {  	s16 =	simm.s32 $0x5;
	s17 =	simm.s32 $0x6;
	s18 =	simm.s32 $0x7  }
0x6: {  	s19 =	simm.s32 $0x8;
	s0 =	sand.u32 $0x1, s0;
	s3 =	sshll.u32 s2, $0x1  }
0x7: {  	s20 =	simm.s32 $0x0;
	s2 =	rddreg [dreg:$0x1];
	s6 =	sor.u32 s0, s3  }
0x8: {  	v0 =	vlaneseq.u32;
	s3 =	simm.s32 $0x0;
	s0 =	ssub.s32 $0x2, s0;
	s4 =	smul.u32 $0xC80, s6  }
0x9: {  	v0 =	vmul.u32 $0x88, v0;
	[smem:$0x7FF] =	sst s3;
	s7 =	sshrl.u32 s0, $0x1;
	s6 =	smul.u32 $0xC8, s6  }
0xa: {  	_ =	strace $0x80000047;
	s0 =	ssub.s32 s0, s7;
	s5 =	sadd.s32 s4, s1  }
0xb: {  	v1 =	vadd.s32 $0x880, v0;
	v2 =	vadd.s32 $0x1100, v0;
	v3 =	vadd.s32 $0x1980, v0;
	s4 =	sadd.s32 $0x19400, s1;
	s7 =	smax.u32 s0, $0x1;
	s5 =	sadd.s32 $0x400, s5  }
.LBB2_1:
0xc: {  	[tilespmem:s3], [sflag:$0x9] =	stream.linear.gather [hbm4b:s5+s3], $0x6400, $0x38;
	[tilespmem:$0x16C00] =	vst v63  }
0xd: {  	_ =	swait.ge [sflag:s8], $0x6400  }
0xe: {  	[sflag:s8] =	ssyncset.done $0x0  }
0xf: {  	[sflag:s8] =	ssyncadd.s32 $0xFFFF9C00  }
0x10: {  	[tilespmem:s10], [sflag:$0x1] =	stream.indirect.gather [hbm4b:s4+s9], $0x40, s3, s9, $0xb8;
	[tilespmem:$0x16C00] =	vst v63  }
0x11: {  	_ = 	snop  }
0x12: {  	[tilespmem:s11], [sflag:$0x2] =	stream.indirect.gather [hbm4b:s4+s9], $0x40, s9, s9, $0xb8;
	[tilespmem:$0x16C00] =	vst v63  }
0x13: {  	_ = 	snop  }
0x14: {  	[tilespmem:s13], [sflag:$0x3] =	stream.indirect.gather [hbm4b:s4+s9], $0x40, s12, s9, $0xb8;
	[tilespmem:$0x16C00] =	vst v63  }
0x15: {  	s21 =	simm.s32 $0x0;
	s22 =	simm.s32 $0x0  }
0x16: {  	[tilespmem:s15], [sflag:$0x4] =	stream.indirect.gather [hbm4b:s4+s9], $0x40, s14, s9, $0xb8;
	[tilespmem:$0x16C00] =	vst v63  }
.LBB2_2:
0x17: {  	s24 =	sand.u32 $0x3, s22  }
0x18: {  	s23 =	sadd.s32 $0x1, s24  }
0x19: {  	_ =	swait.ge [sflag:s23], $0x2000  }
0x1a: {  	p0 =	slt.u32 s22, $0x4;
	[sflag:s23] =	ssyncset.done $0x0  }
0x1b: {  	s1 =	sand.u32 $0x3, s21;
	s0 =	sadd.s32 @!p0 $0x5, s24;
	[sflag:s23] =	ssyncadd.s32 $0xFFFFE000  }
0x1c: {  	s25 =	simm.s32 $0x3;
	s26 =	sshll.u32 s1, $0xD;
	_ =	swait.ge @!p0 [sflag:s0], $0x2000  }
0x1d: {  	v4 =	vmov s25;
	s30 =	sadd.s32 $0x6480, s26;
	s26 =	simm.s32 $0x0;
	[sflag:s0] =	ssyncset.done @!p0 $0x0  }
0x1e: {  	v5 =	vand.u32 $0x7F, v4;
	v4 =	vmov s26;
	[sflag:s0] =	ssyncadd.s32 @!p0 $0xFFFFE000  }
0x1f: {  	v8 =	vadd.s32 v0, v5;
	s26 =	smul.u32 $0x8800, s24;
	v6 =	vand.u32 $0x7C, v4;
	v7 =	vld [tilespmem:s30+$0x40]  }
0x20: {  	s25 =	simm.s32 $0x1;
	v10 =	vadd.s32 v0, v6;
	v9 =	vld [tilespmem:s30+$0xFFFFFF80]  }
0x21: {  	v4 =	vmov s25;
	s25 =	sshrl.u32 s26, $0x2;
	s26 =	simm.s32 $0x2  }
0x22: {  	v11 =	vand.u32 $0x7D, v4;
	v13 =	vmov s26  }
0x23: {  	v12 =	vadd.s32 v0, v11;
	s28 =	sadd.s32 $0xE400, s25;
	v13 =	vand.u32 $0x7E, v13;
	v4 =	vld [tilespmem:s30+$0xFFFFFFC0]  }
0x24: {  	v14 =	vld [tilespmem:s30+$0x0];
	v15 =	vadd.s32 v0, v13;
	[tilespmem:v8+s28+$0x0] =	vst.idx.msk $0xffff, v7  }
0x25: {  	v8 =	vadd.s32 v1, v5;
	[tilespmem:v10+s28+$0x0] =	vst.idx.msk $0xffff, v9;
	v7 =	vld [tilespmem:s30+$0x50]  }
0x26: {  	v10 =	vadd.s32 v1, v6;
	v9 =	vld [tilespmem:s30+$0xFFFFFF90];
	_ =	sdelay $0x1  }
0x27: {  	[tilespmem:v12+s28+$0x0] =	vst.idx.msk $0xffff, v4  }
0x28: {  	v12 =	vadd.s32 v1, v11;
	[tilespmem:v15+s28+$0x0] =	vst.idx.msk $0xffff, v14;
	v4 =	vld [tilespmem:s30+$0xFFFFFFD0]  }
0x29: {  	s25 =	simm.s32 $0x7;
	v16 =	vadd.s32 v1, v13;
	v15 =	vld [tilespmem:s30+$0x10];
	[tilespmem:v8+s28+$0x0] =	vst.idx.msk $0xffff, v7  }
0x2a: {  	v14 =	vadd.s32 v2, v5;
	[tilespmem:v10+s28+$0x0] =	vst.idx.msk $0xffff, v9;
	v8 =	vmov s25;
	v7 =	vld [tilespmem:s30+$0x60]  }
0x2b: {  	s29 =	sadd.s32 $0x100, s30;
	v10 =	vadd.s32 v2, v6;
	v9 =	vld [tilespmem:s30+$0xFFFFFFA0];
	v8 =	vand.u32 $0x7F, v8  }
0x2c: {  	s26 =	simm.s32 $0x4;
	v18 =	vld [tilespmem:s29+$0x40];
	v19 =	vadd.s32 v0, v8  }
0x2d: {  	[tilespmem:v12+s28+$0x0] =	vst.idx.msk $0xffff, v4;
	v4 =	vmov s26;
	s25 =	simm.s32 $0x5  }
0x2e: {  	v17 =	vadd.s32 v2, v11;
	[tilespmem:v16+s28+$0x0] =	vst.idx.msk $0xffff, v15;
	v12 =	vld [tilespmem:s30+$0xFFFFFFE0];
	v4 =	vand.u32 $0x7C, v4;
	v22 =	vmov s25  }
0x2f: {  	v20 =	vld [tilespmem:s29+$0xFFFFFF80];
	s26 =	simm.s32 $0x6;
	v21 =	vadd.s32 v0, v4;
	[tilespmem:v14+s28+$0x0] =	vst.idx.msk $0xffff, v7;
	v7 =	vand.u32 $0x7D, v22  }
0x30: {  	v14 =	vmov s26;
	[tilespmem:v10+s28+$0x0] =	vst.idx.msk $0xffff, v9;
	v9 =	vld [tilespmem:s29+$0xFFFFFFC0];
	v10 =	vadd.s32 v0, v7  }
0x31: {  	v16 =	vadd.s32 v3, v5;
	v5 =	vand.u32 $0x7E, v14;
	[tilespmem:v19+s28+$0x0] =	vst.idx.msk $0xffff, v18;
	v18 =	vld [tilespmem:s30+$0x20];
	v19 =	vadd.s32 v2, v13  }
0x32: {  	v14 =	vld [tilespmem:s29+$0x0];
	v62 =	vadd.s32 v0, v5  }
0x33: {  	[tilespmem:v17+s28+$0x0] =	vst.idx.msk $0xffff, v12;
	v15 =	vld [tilespmem:s30+$0x70]  }
0x34: {  	v63 =	vadd.s32 v1, v8;
	[tilespmem:v21+s28+$0x0] =	vst.idx.msk $0xffff, v20;
	v20 =	vld [tilespmem:s29+$0x50]  }
0x35: {  	v24 =	vadd.s32 v1, v4;
	v23 =	vld [tilespmem:s29+$0xFFFFFF90];
	[tilespmem:v10+s28+$0x0] =	vst.idx.msk $0xffff, v9  }
0x36: {  	v26 =	vadd.s32 v3, v11;
	v25 =	vld [tilespmem:s30+$0xFFFFFFF0];
	[tilespmem:v19+s28+$0x0] =	vst.idx.msk $0xffff, v18  }
0x37: {  	v18 =	vadd.s32 v1, v7;
	v17 =	vld [tilespmem:s29+$0xFFFFFFD0];
	[tilespmem:v62+s28+$0x0] =	vst.idx.msk $0xffff, v14  }
0x38: {  	s1 =	smul.u32 $0x8800, s1;
	[tilespmem:v16+s28+$0x0] =	vst.idx.msk $0xffff, v15;
	v16 =	vadd.s32 v1, v5;
	v12 =	vld [tilespmem:s29+$0x10]  }
0x39: {  	s31 =	simm.s32 $0x8;
	v15 =	vadd.s32 v3, v13;
	[tilespmem:v63+s28+$0x0] =	vst.idx.msk $0xffff, v20;
	v9 =	vld [tilespmem:s30+$0x30]  }
0x3a: {  	s0 =	sshrl.u32 s1, $0x2;
	s1 =	simm.s32 $0xC;
	s25 =	sshll.u32 s24, $0xD;
	v13 =	vadd.s32 v2, v8;
	[tilespmem:v24+s28+$0x0] =	vst.idx.msk $0xffff, v23;
	v10 =	vld [tilespmem:s29+$0x60]  }
0x3b: {  	s25 =	sadd.s32 $0x6400, s25;
	s26 =	sadd.s32 $0xE400, s0;
	s0 =	simm.s32 $0xB;
	[tilespmem:v26+s28+$0x0] =	vst.idx.msk $0xffff, v25;
	v14 =	vadd.s32 v2, v4;
	v11 =	vld [tilespmem:s29+$0xFFFFFFA0]  }
.LBB2_3:
0x3c: {  	p0 =	slt.u32 s1, $0x7C;
	v19 =	vmov s0;
	[tilespmem:v18+s28+$0x0] =	vst.idx.msk $0xffff, v17;
	v17 =	vld [tilespmem:s30+$0xFFFFFFB0];
	v18 =	vadd.s32 v3, v6;
	v6 =	vmov v4;
	s30 =	smov.u32 s29  }
0x3d: {  	v4 =	vmov s31;
	v21 =	vadd.s32 v2, v7;
	s29 =	sadd.s32 $0x100, s29;
	v19 =	vand.u32 $0x7F, v19;
	v20 =	vld [tilespmem:s30+$0xFFFFFFE0];
	[tilespmem:v16+s28+$0x0] =	vst.idx.msk $0xffff, v12  }
0x3e: {  	s0 =	sadd.s32 $0x1, s31;
	v4 =	vand.u32 $0x7C, v4;
	v12 =	vld [tilespmem:s29+$0x40];
	v16 =	vadd.s32 v0, v19;
	[tilespmem:v15+s28+$0x0] =	vst.idx.msk $0xffff, v9  }
0x3f: {  	v22 =	vmov s0;
	s0 =	sadd.s32 $0x2, s31;
	s31 =	smov.u32 s1;
	v15 =	vadd.s32 v0, v4;
	v9 =	vld [tilespmem:s29+$0xFFFFFF80];
	[tilespmem:v13+s28+$0x0] =	vst.idx.msk $0xffff, v10  }
0x40: {  	v10 =	vand.u32 $0x7D, v22;
	v13 =	vmov s0;
	[tilespmem:v14+s28+$0x0] =	vst.idx.msk $0xffff, v11;
	v11 =	vld [tilespmem:s30+$0x70];
	v14 =	vadd.s32 v3, v8;
	v8 =	vmovc v19  }
0x41: {  	v22 =	vadd.s32 v0, v10;
	v13 =	vand.u32 $0x7E, v13;
	v19 =	vld [tilespmem:s29+$0xFFFFFFC0];
	[tilespmem:v18+s28+$0x0] =	vst.idx.msk $0xffff, v17  }
0x42: {  	v24 =	vadd.s32 v0, v13;
	v23 =	vld [tilespmem:s29+$0x0];
	[tilespmem:v21+s28+$0x0] =	vst.idx.msk $0xffff, v20  }
0x43: {  	v21 =	vadd.s32 v2, v5;
	[tilespmem:v16+s28+$0x0] =	vst.idx.msk $0xffff, v12;
	v20 =	vld [tilespmem:s30+$0x20]  }
0x44: {  	[tilespmem:v15+s28+$0x0] =	vst.idx.msk $0xffff, v9;
	v9 =	vld [tilespmem:s29+$0x50];
	v15 =	vadd.s32 v1, v8  }
0x45: {  	v26 =	vadd.s32 v1, v4;
	v25 =	vld [tilespmem:s29+$0xFFFFFF90];
	[tilespmem:v14+s28+$0x0] =	vst.idx.msk $0xffff, v11  }
0x46: {  	[tilespmem:v22+s28+$0x0] =	vst.idx.msk $0xffff, v19;
	v19 =	vld [tilespmem:s30+$0xFFFFFFF0];
	v22 =	vadd.s32 v3, v7;
	v7 =	vmov v10  }
.Ltmp0:
0x47: {  	v17 =	vld [tilespmem:s29+$0xFFFFFFD0];
	v18 =	vadd.s32 v1, v7;
	[tilespmem:v24+s28+$0x0] =	vst.idx.msk $0xffff, v23;
	(pc) =	sbr.rel @p0 .LBB2_3-.Ltmp0, $4  }
0x48: {  	v16 =	vadd.s32 v1, v13;
	v12 =	vld [tilespmem:s29+$0x10];
	[tilespmem:v21+s28+$0x0] =	vst.idx.msk $0xffff, v20  }
0x49: {  	[tilespmem:v15+s28+$0x0] =	vst.idx.msk $0xffff, v9;
	v9 =	vld [tilespmem:s30+$0x30];
	v15 =	vadd.s32 v3, v5;
	v5 =	vmov v13  }
0x4a: {  	v13 =	vadd.s32 v2, v8;
	[tilespmem:v26+s28+$0x0] =	vst.idx.msk $0xffff, v25;
	v10 =	vld [tilespmem:s29+$0x60]  }
0x4b: {  	s1 =	sadd.s32 $0x4, s1;
	s0 =	sadd.s32 $0x3, s31;
	v14 =	vadd.s32 v2, v4;
	v11 =	vld [tilespmem:s29+$0xFFFFFFA0];
	[tilespmem:v22+s28+$0x0] =	vst.idx.msk $0xffff, v19  }
0x4c: {  	_ =	sdelay $0x2  }
0x4d: {  	v19 =	vmov s0  }
0x4e: {  	s0 =	sadd.s32 $0x1, s31;
	[tilespmem:v18+s28+$0x0] =	vst.idx.msk $0xffff, v17;
	v30 =	vld [tilespmem:s30+$0xFFFFFFB0];
	v6 =	vadd.s32 v3, v6;
	s1 =	sadd.s32 $0x100, s29;
	v21 =	vmov s31;
	v31 =	vand.u32 $0x7F, v19  }
0x4f: {  	v32 =	vmov s0;
	s0 =	sadd.s32 $0x2, s31;
	[tilespmem:v16+s28+$0x0] =	vst.idx.msk $0xffff, v12;
	v33 =	vld [tilespmem:s1+$0x40];
	v21 =	vand.u32 $0x7C, v21;
	v34 =	vadd.s32 v0, v31  }
0x50: {  	v22 =	vld [tilespmem:s1+$0xFFFFFF80];
	v19 =	vand.u32 $0x7D, v32;
	v20 =	vmov s0;
	[tilespmem:v15+s28+$0x0] =	vst.idx.msk $0xffff, v9;
	v39 =	vadd.s32 v0, v21  }
0x51: {  	v35 =	vld [tilespmem:s1+$0xFFFFFFC0];
	v36 =	vadd.s32 v0, v19;
	v20 =	vand.u32 $0x7E, v20;
	[tilespmem:v13+s28+$0x0] =	vst.idx.msk $0xffff, v10  }
0x52: {  	v37 =	vld [tilespmem:s1+$0x0];
	v38 =	vadd.s32 v0, v20;
	[tilespmem:v14+s28+$0x0] =	vst.idx.msk $0xffff, v11  }
0x53: {  	v41 =	vadd.s32 v2, v7;
	v40 =	vld [tilespmem:s29+$0xFFFFFFE0];
	[tilespmem:v6+s28+$0x0] =	vst.idx.msk $0xffff, v30  }
0x54: {  	v49 =	vadd.s32 v2, v5;
	v48 =	vld [tilespmem:s29+$0x20];
	[tilespmem:v34+s28+$0x0] =	vst.idx.msk $0xffff, v33  }
0x55: {  	v43 =	vadd.s32 v1, v31;
	[tilespmem:v39+s28+$0x0] =	vst.idx.msk $0xffff, v22;
	v12 =	vld [tilespmem:s1+$0x50]  }
0x56: {  	v47 =	vadd.s32 v1, v21;
	[tilespmem:v36+s28+$0x0] =	vst.idx.msk $0xffff, v35;
	v46 =	vld [tilespmem:s1+$0xFFFFFF90]  }
0x57: {  	v44 =	vadd.s32 v1, v19;
	v9 =	vld [tilespmem:s1+$0xFFFFFFD0];
	[tilespmem:v38+s28+$0x0] =	vst.idx.msk $0xffff, v37  }
0x58: {  	v45 =	vadd.s32 v1, v20;
	[tilespmem:v41+s28+$0x0] =	vst.idx.msk $0xffff, v40;
	v10 =	vld [tilespmem:s1+$0x10]  }
0x59: {  	v8 =	vadd.s32 v3, v8;
	v42 =	vld [tilespmem:s29+$0x70];
	[tilespmem:v49+s28+$0x0] =	vst.idx.msk $0xffff, v48  }
0x5a: {  	v5 =	vadd.s32 v3, v5;
	v14 =	vld [tilespmem:s29+$0x30];
	[tilespmem:v43+s28+$0x0] =	vst.idx.msk $0xffff, v12  }
0x5b: {  	v52 =	vadd.s32 v2, v31;
	[tilespmem:v47+s28+$0x0] =	vst.idx.msk $0xffff, v46;
	v12 =	vld [tilespmem:s1+$0x60]  }
0x5c: {  	v57 =	vadd.s32 v2, v21;
	[tilespmem:v44+s28+$0x0] =	vst.idx.msk $0xffff, v9;
	v56 =	vld [tilespmem:s1+$0xFFFFFFA0]  }
0x5d: {  	v53 =	vadd.s32 v2, v19;
	v9 =	vld [tilespmem:s1+$0xFFFFFFE0];
	[tilespmem:v45+s28+$0x0] =	vst.idx.msk $0xffff, v10  }
0x5e: {  	v55 =	vadd.s32 v2, v20;
	[tilespmem:v8+s28+$0x0] =	vst.idx.msk $0xffff, v42;
	v54 =	vld [tilespmem:s1+$0x20]  }
0x5f: {  	v4 =	vadd.s32 v3, v4;
	v58 =	vld [tilespmem:s29+$0xFFFFFFB0];
	[tilespmem:v5+s28+$0x0] =	vst.idx.msk $0xffff, v14  }
0x60: {  	v51 =	vadd.s32 v3, v7;
	v50 =	vld [tilespmem:s29+$0xFFFFFFF0];
	[tilespmem:v52+s28+$0x0] =	vst.idx.msk $0xffff, v12  }
0x61: {  	v60 =	vadd.s32 v3, v31;
	[tilespmem:v57+s28+$0x0] =	vst.idx.msk $0xffff, v56;
	v59 =	vld [tilespmem:s1+$0x70]  }
0x62: {  	v63 =	vadd.s32 v3, v21;
	[tilespmem:v53+s28+$0x0] =	vst.idx.msk $0xffff, v9;
	v5 =	vld [tilespmem:s1+$0xFFFFFFB0]  }
0x63: {  	v61 =	vadd.s32 v3, v19;
	v9 =	vld [tilespmem:s1+$0xFFFFFFF0];
	[tilespmem:v55+s28+$0x0] =	vst.idx.msk $0xffff, v54  }
0x64: {  	v62 =	vadd.s32 v3, v20;
	[tilespmem:v4+s28+$0x0] =	vst.idx.msk $0xffff, v58;
	v6 =	vld [tilespmem:s1+$0x30]  }
0x65: {  	[tilespmem:v51+s28+$0x0] =	vst.idx.msk $0xffff, v50;
	s1 =	sadd.s32 s6, s22  }
0x66: {  	s31 =	sshll.u32 s1, $0x7;
	[tilespmem:v60+s28+$0x0] =	vst.idx.msk $0xffff, v59  }
0x67: {  	s0 =	sshll.u32 s1, $0xA;
	s1 =	sand.u32 $0x3F80, s31;
	[tilespmem:v63+s28+$0x0] =	vst.idx.msk $0xffff, v5  }
0x68: {  	s0 =	sand.u32 $0xFFE0000, s0;
	s1 =	sadd.s32 s2, s1;
	[tilespmem:v61+s28+$0x0] =	vst.idx.msk $0xffff, v9  }
0x69: {  	s24 =	sadd.s32 $0x5, s24;
	s31 =	sadd.s32 $0x0, s26;
	s1 =	sadd.s32 s0, s1;
	[tilespmem:v62+s28+$0x0] =	vst.idx.msk $0xffff, v6  }
0x6a: {  	[hbm4b:s1+s3] =	stream.linear.scatter [tilespmem:s31], [sflag:s24], $0x80, $0x38;
	[tilespmem:$0x16C00] =	vst v63  }
0x6b: {  	s28 =	sadd.s32 $0x88, s31;
	s29 =	sadd.s32 $0x10, s1  }
0x6c: {  	[hbm4b:s29+s3] =	stream.linear.scatter [tilespmem:s28], [sflag:s24], $0x80, $0x38;
	[tilespmem:$0x16C00] =	vst v63  }
0x6d: {  	s28 =	sadd.s32 $0x110, s31;
	s29 =	sadd.s32 $0x20, s1  }
0x6e: {  	[hbm4b:s29+s3] =	stream.linear.scatter [tilespmem:s28], [sflag:s24], $0x80, $0x38;
	[tilespmem:$0x16C00] =	vst v63  }
0x6f: {  	s28 =	sadd.s32 $0x198, s31;
	s29 =	sadd.s32 $0x30, s1  }
0x70: {  	[hbm4b:s29+s3] =	stream.linear.scatter [tilespmem:s28], [sflag:s24], $0x80, $0x38;
	[tilespmem:$0x16C00] =	vst v63  }
0x71: {  	s28 =	sadd.s32 $0x220, s31;
	s29 =	sadd.s32 $0x40, s1  }
0x72: {  	[hbm4b:s29+s3] =	stream.linear.scatter [tilespmem:s28], [sflag:s24], $0x80, $0x38;
	[tilespmem:$0x16C00] =	vst v63  }
0x73: {  	s0 =	sadd.s32 $0x3B8, s31;
	s28 =	sadd.s32 $0x2A8, s31;
	s29 =	sadd.s32 $0x50, s1  }
0x74: {  	[hbm4b:s29+s3] =	stream.linear.scatter [tilespmem:s28], [sflag:s24], $0x80, $0x38;
	[tilespmem:$0x16C00] =	vst v63  }
0x75: {  	s30 =	sadd.s32 $0x70, s1;
	s28 =	sadd.s32 $0x330, s31;
	s29 =	sadd.s32 $0x60, s1  }
0x76: {  	[hbm4b:s29+s3] =	stream.linear.scatter [tilespmem:s28], [sflag:s24], $0x80, $0x38;
	[tilespmem:$0x16C00] =	vst v63  }
0x77: {  	s1 =	sadd.s32 $0x4000, s1;
	s28 =	simm.s32 $0x440;
	s29 =	simm.s32 $0x2200  }
.LBB2_5:
0x78: {  	[hbm4b:s30+s3] =	stream.linear.scatter [tilespmem:s0], [sflag:s24], $0x80, $0x38;
	[tilespmem:$0x16C00] =	vst v63  }
0x79: {  	s0 =	smov.u32 s29  }
0x7a: {  	s31 =	sadd.s32 $0x1100, s29;
	s30 =	sadd.s32 s28, s26;
	s28 =	sshra.s32 s0, $0x2  }
0x7b: {  	[hbm4b:s1+s3] =	stream.linear.scatter [tilespmem:s30], [sflag:s24], $0x80, $0x38;
	[tilespmem:$0x16C00] =	vst v63  }
0x7c: {  	p0 =	sne.s32 s29, $0x7700;
	s29 =	sadd.s32 $0x10, s1;
	s0 =	sadd.s32 $0x88, s30  }
0x7d: {  	[hbm4b:s29+s3] =	stream.linear.scatter [tilespmem:s0], [sflag:s24], $0x80, $0x38;
	[tilespmem:$0x16C00] =	vst v63  }
0x7e: {  	s0 =	sadd.s32 $0x110, s30;
	s29 =	sadd.s32 $0x20, s1  }
0x7f: {  	[hbm4b:s29+s3] =	stream.linear.scatter [tilespmem:s0], [sflag:s24], $0x80, $0x38;
	[tilespmem:$0x16C00] =	vst v63  }
0x80: {  	s0 =	sadd.s32 $0x198, s30;
	s29 =	sadd.s32 $0x30, s1  }
0x81: {  	[hbm4b:s29+s3] =	stream.linear.scatter [tilespmem:s0], [sflag:s24], $0x80, $0x38;
	[tilespmem:$0x16C00] =	vst v63  }
0x82: {  	s0 =	sadd.s32 $0x220, s30;
	s29 =	sadd.s32 $0x40, s1  }
0x83: {  	[hbm4b:s29+s3] =	stream.linear.scatter [tilespmem:s0], [sflag:s24], $0x80, $0x38;
	[tilespmem:$0x16C00] =	vst v63  }
0x84: {  	s0 =	sadd.s32 $0x2A8, s30;
	s29 =	sadd.s32 $0x50, s1  }
0x85: {  	[hbm4b:s29+s3] =	stream.linear.scatter [tilespmem:s0], [sflag:s24], $0x80, $0x38;
	[tilespmem:$0x16C00] =	vst v63  }
.Ltmp1:
0x86: {  	_ = 	snop;
	(pc) =	sbr.rel @p0 .LBB2_5-.Ltmp1, $4  }
0x87: {  	s0 =	sadd.s32 $0x330, s30;
	s29 =	sadd.s32 $0x60, s1  }
0x88: {  	[hbm4b:s29+s3] =	stream.linear.scatter [tilespmem:s0], [sflag:s24], $0x80, $0x38;
	[tilespmem:$0x16C00] =	vst v63  }
0x89: {  	s0 =	sadd.s32 $0x3B8, s30  }
0x8a: {  	s30 =	sadd.s32 $0x70, s1;
	s1 =	sadd.s32 $0x4000, s1;
	s29 =	smov.u32 s31  }
0x8b: {  	[hbm4b:s30+s3] =	stream.linear.scatter [tilespmem:s0], [sflag:s24], $0x80, $0x38;
	[tilespmem:$0x16C00] =	vst v63  }
0x8c: {  	s0 =	sadd.s32 s28, s26  }
0x8d: {  	[hbm4b:s1+s3] =	stream.linear.scatter [tilespmem:s0], [sflag:s24], $0x80, $0x38;
	[tilespmem:$0x16C00] =	vst v63  }
0x8e: {  	s29 =	sadd.s32 $0x10, s1;
	s26 =	sadd.s32 $0x88, s0  }
0x8f: {  	[hbm4b:s29+s3] =	stream.linear.scatter [tilespmem:s26], [sflag:s24], $0x80, $0x38;
	[tilespmem:$0x16C00] =	vst v63  }
0x90: {  	s31 =	sadd.s32 $0x20, s1;
	s30 =	sadd.s32 $0x110, s0  }
0x91: {  	[hbm4b:s31+s3] =	stream.linear.scatter [tilespmem:s30], [sflag:s24], $0x80, $0x38;
	[tilespmem:$0x16C00] =	vst v63  }
0x92: {  	s29 =	sadd.s32 $0x198, s0;
	s30 =	sadd.s32 $0x30, s1  }
0x93: {  	[hbm4b:s30+s3] =	stream.linear.scatter [tilespmem:s29], [sflag:s24], $0x80, $0x38;
	[tilespmem:$0x16C00] =	vst v63  }
0x94: {  	s31 =	sadd.s32 $0x220, s0;
	s29 =	sadd.s32 $0x40, s1  }
0x95: {  	[hbm4b:s29+s3] =	stream.linear.scatter [tilespmem:s31], [sflag:s24], $0x80, $0x38;
	[tilespmem:$0x16C00] =	vst v63  }
0x96: {  	s30 =	sadd.s32 $0x2A8, s0;
	s31 =	sadd.s32 $0x50, s1  }
0x97: {  	[hbm4b:s31+s3] =	stream.linear.scatter [tilespmem:s30], [sflag:s24], $0x80, $0x38;
	[tilespmem:$0x16C00] =	vst v63  }
0x98: {  	s29 =	sadd.s32 $0x330, s0;
	s30 =	sadd.s32 $0x60, s1  }
0x99: {  	[hbm4b:s30+s3] =	stream.linear.scatter [tilespmem:s29], [sflag:s24], $0x80, $0x38;
	[tilespmem:$0x16C00] =	vst v63  }
0x9a: {  	p0 =	sgt.u32 s22, $0xC3;
	s0 =	sadd.s32 $0x3B8, s0;
	s31 =	sadd.s32 $0x70, s1  }
0x9b: {  	[hbm4b:s31+s3] =	stream.linear.scatter [tilespmem:s0], [sflag:s24], $0x80, $0x38;
	[tilespmem:$0x16C00] =	vst v63  }
0x9c: {  	s0 =	sshll.u32 @!p0 s22, $0x7  }
0x9d: {  	s0 =	sand.u32 @!p0 $0x3FFFFF80, s0  }
0x9e: {  	s1 =	simm.s32 @!p0 $0x80;
	s22 =	sadd.s32 $0x1, s22;
	s0 =	sadd.s32 @!p0 $0x200, s0  }
0x9f: {  	[tilespmem:s25], [sflag:s23] =	stream.indirect.gather @!p0 [hbm4b:s4+s1], $0x40, s0, s1, $0xb8;
	[tilespmem:$0x16C00] =	vst v63  }
0xa0: {  	p0 =	sne.s32 s22, $0xC8  }
.Ltmp2:
0xa1: {  	_ = 	snop;
	(pc) =	sbr.rel @p0 .LBB2_2-.Ltmp2, $2  }
0xa2: {  	_ =	sdelay $0x2  }
0xa3: {  	s21 =	sadd.s32 $0x1, s21  }
0xa4: {  	_ =	swait.ge [sflag:s16], $0x2000  }
0xa5: {  	[sflag:s16] =	ssyncset.done $0x0  }
0xa6: {  	[sflag:s16] =	ssyncadd.s32 $0xFFFFE000  }
0xa7: {  	_ =	swait.ge [sflag:s17], $0x2000  }
0xa8: {  	[sflag:s17] =	ssyncset.done $0x0  }
0xa9: {  	s20 =	sadd.s32 $0x1, s20;
	[sflag:s17] =	ssyncadd.s32 $0xFFFFE000  }
0xaa: {  	p0 =	sne.s32 s20, s7;
	_ =	swait.ge [sflag:s18], $0x2000  }
.Ltmp3:
0xab: {  	[sflag:s18] =	ssyncset.done $0x0;
	(pc) =	sbr.rel @p0 .LBB2_1-.Ltmp3, $4  }
0xac: {  	[sflag:s18] =	ssyncadd.s32 $0xFFFFE000  }
0xad: {  	_ =	swait.ge [sflag:s19], $0x2000  }
0xae: {  	[sflag:s19] =	ssyncset.done $0x0  }
0xaf: {  	[sflag:s19] =	ssyncadd.s32 $0xFFFFE000  }
0xb0: {  	_ =	sfence.sel $0x180000  }
0xb1: {  	[bflag:$0x0] =	sbarrier.arrive $0xFFFF  }
0xb2: {  	_ =	strace $0x90000047  }
0xb3: {  	s0 =	stileid.u32;
	[bflag:$0x2] =	sbarrier.arrive $0xFFFF  }
0xb4: {  	p0 =	sne.s32 s0, $0x0;
	s0 =	rddreg [dreg:$0x2]  }
0xb5: {  	s0 =	sadd.s32 @!p0 $0x100000, s0  }
0xb6: {  	[sflag:s0] =	ssyncadd.tile.s32 @!p0 $0x1;
	_ =	shalt  }
.Lfunc_end2:
_tile_overlayer_lowered:
.L_overlay_start_2:
0xb7: {  	(tag) =	ssettag $0x2  }
0xb8: {  	s0 =	rddreg [dreg:$0x0];
	s2 =	stileid.u32  }
0xb9: {  	s1 =	rddreg [dreg:$0x1];
	p0 =	sne.s32 s2, $0x0  }
0xba: {  	s3 =	rddreg [dreg:$0x2];
	[bflag:$0x3] =	sbarrier.arrive $0xFFFF;
	s2 =	simm.s32 @!p0 $0x1C09  }
0xbb: {  	[timem:s3], [sflag:s2] =	dma.local @!p0 [hbm:s0], s1  }
0xbc: {  	s0 =	simm.s32 @!p0 $0x9  }
0xbd: {  	_ =	swait.ge @!p0 [sflag:s0], s1  }
0xbe: {  	s1 =	ssub.s32 @!p0 $0x0, s1;
	[sflag:s0] =	ssyncset.done @!p0 $0x0  }
0xbf: {  	[sflag:s0] =	ssyncadd.s32 @!p0 s1  }
0xc0: {  	[bflag:$0x3] =	sbarrier.arrive $0xFFFF  }
0xc1: {  	_ =	shalt  }

</sc_bundles>
